<compile_context>
chip_gen: v7x
topology: tpu7x:2x2x1
jax: 0.10.2.dev20260603
libtpu: 0.0.44.dev20260713+nightly
codegen_flags: <defaults>
</compile_context>

<pallas_src>
import functools

import jax
import jax.numpy as jnp
from jax import lax
from jax.experimental import pallas as pl
from jax.experimental.pallas import tpu as pltpu
from jax.experimental.pallas import tpu_sc as plsc

VOCAB = 1_000_000
EMBED_DIM = 64
BATCH = 4096
HIST = 200

NUM_WORKERS = 32
COLS_PER_W = BATCH // NUM_WORKERS
FIRE = 20

VBLK = 32768


def _tc_scores_body(w_ref, b_ref, embt_ref, out_ref):
    s = jnp.dot(w_ref[...], embt_ref[...], preferred_element_type=jnp.float32)
    out_ref[...] = (s + b_ref[0, 0]) * (1.0 / HIST)


def _tc_scores(embt, w_row, b11):
    return pl.pallas_call(
        _tc_scores_body,
        grid=(pl.cdiv(VOCAB, VBLK),),
        in_specs=[
            pl.BlockSpec((1, EMBED_DIM), lambda i: (0, 0)),
            pl.BlockSpec((1, 1), lambda i: (0, 0)),
            pl.BlockSpec((EMBED_DIM, VBLK), lambda i: (0, i)),
        ],
        out_specs=pl.BlockSpec((1, VBLK), lambda i: (0, i)),
        out_shape=jax.ShapeDtypeStruct((1, VOCAB), jnp.float32),
    )(w_row, b11, embt)


def _sc_pool_body(xt_hbm, scores_hbm, out_hbm, xv, gv, ov, sem):
    cid = lax.axis_index("c")
    sid = lax.axis_index("s")
    wid = sid * 2 + cid
    cbase = pl.multiple_of(wid * COLS_PER_W, COLS_PER_W)

    pltpu.sync_copy(xt_hbm.at[:, pl.ds(cbase, COLS_PER_W)], xv)

    @pl.loop(0, HIST // FIRE)
    def _(i):
        for u in range(FIRE):
            j = i * FIRE + u
            jb = pl.multiple_of(j * COLS_PER_W, COLS_PER_W)
            pltpu.async_copy(
                scores_hbm.at[0].at[xv.at[j]],
                gv.at[pl.ds(jb, COLS_PER_W)],
                sem,
            )

    pltpu.make_async_copy(
        scores_hbm.at[0].at[pl.ds(0, HIST * COLS_PER_W)], gv, sem
    ).wait()

    for cg in range(COLS_PER_W // 16):
        @pl.loop(0, HIST, init_carry=jnp.zeros((16,), jnp.float32), unroll=8)
        def acc(j, carry):
            return carry + gv[pl.ds(j * COLS_PER_W + cg * 16, 16)]

        ov[pl.ds(cg * 16, 16)] = acc

    pltpu.sync_copy(ov, out_hbm.at[pl.ds(cbase, COLS_PER_W)])


@functools.partial(
    pl.kernel,
    out_type=jax.ShapeDtypeStruct((BATCH,), jnp.float32),
    mesh=plsc.VectorSubcoreMesh(core_axis_name="c", subcore_axis_name="s",
                                num_cores=2, num_subcores=16),
    scratch_types=[
        pltpu.VMEM((HIST, COLS_PER_W), jnp.int32),
        pltpu.VMEM((HIST * COLS_PER_W,), jnp.float32),
        pltpu.VMEM((COLS_PER_W,), jnp.float32),
        pltpu.SemaphoreType.DMA,
    ],
)
def _sc_pool(xt_hbm, scores_hbm, out_hbm, xv, gv, ov, sem):
    _sc_pool_body(xt_hbm, scores_hbm, out_hbm, xv, gv, ov, sem)


def kernel(x, emb_table, W, b):
    b11 = b.reshape(1, 1)
    scores = _tc_scores(emb_table.T, W, b11)
    out = _sc_pool(x.astype(jnp.int32).T, scores)
    return out.reshape(BATCH, 1)

# --- scband reference (transcript-rebuilt; emitter-appended) ---
"""Pipeline reference for scband-simple-model-79293686219056 (READ-ONLY COPY).

The authoritative reference and input builder live on the scoring server;
editing this copy changes nothing except your own understanding.
"""

import jax, jax.numpy as jnp
import numpy as np

VOCAB = 1000000
EMBED_DIM = 64
OUTPUT_DIM = 1
BATCH = 4096
HIST = 200


def setup_inputs(seed: int = 0) -> dict:
    key = jax.random.key(seed)
    k_idx, k_emb, k_w, k_b = jax.random.split(key, 4)
    x = jax.random.randint(k_idx, (BATCH, HIST), 0, VOCAB, dtype=jnp.int64 if jax.config.jax_enable_x64 else jnp.int32)
    emb_table = jax.random.normal(k_emb, (VOCAB, EMBED_DIM), dtype=jnp.float32) * 0.02
    # nn.Linear init: uniform(-1/sqrt(fan_in), 1/sqrt(fan_in))
    bound = 1.0 / np.sqrt(EMBED_DIM)
    W = jax.random.uniform(k_w, (OUTPUT_DIM, EMBED_DIM), minval=-bound, maxval=bound, dtype=jnp.float32)
    b = jax.random.uniform(k_b, (OUTPUT_DIM,), minval=-bound, maxval=bound, dtype=jnp.float32)
    return {"x": x, "emb_table": emb_table, "W": W, "b": b}


def reference(x, emb_table, W, b):
    # embedded = self.embedding(x)  -> gather rows
    embedded = jnp.take(emb_table, x, axis=0)          # [B, L, D]
    # embedded = embedded.mean(dim=1)
    pooled = embedded.mean(axis=1)                      # [B, D]
    # output = self.linear(pooled)
    output = pooled @ W.T + b                           # [B, output_dim]
    return output

if __name__ == "__main__":
    import jax
    _d = setup_inputs()
    print(jax.jit(kernel)(*tuple(_d.values())))

</pallas_src>

<mosaic_0001>
#map = affine_map<(d0, d1) -> (0, 0)>
#map1 = affine_map<(d0, d1) -> (0)>
module attributes {stable_mosaic.version = 14 : i64} {
  func.func @_sc_pool(%arg0: i32, %arg1: i32, %arg2: memref<200x4096xi32, #tpu.memory_space<hbm>>, %arg3: memref<1x1000000xf32, #tpu.memory_space<hbm>>, %arg4: memref<4096xf32, #tpu.memory_space<hbm>>, %arg5: memref<200x128xi32, #tpu.memory_space<vmem>>, %arg6: memref<25600xf32, #tpu.memory_space<vmem>>, %arg7: memref<128xf32, #tpu.memory_space<vmem>>, %arg8: memref<!tpu.dma_semaphore, #tpu.memory_space<semaphore_mem>>) attributes {dimension_semantics = [#tpu.dimension_semantics<core_parallel>, #tpu.dimension_semantics<subcore_parallel>], iteration_bounds = array<i64: 2, 16>, scalar_prefetch = 0 : i64, scratch_operands = 4 : i64, tpu.core_type = #tpu.core_type<sc_vector_subcore>, window_params = [{transform_indices = #map}, {transform_indices = #map}, {transform_indices = #map1}]} {
    %mul3A = arith.constant 2 : i32
    %mul3A_0 = arith.muli %arg1, %mul3A : i32
    %add3A = arith.addi %mul3A_0, %arg0 : i32
    %mul3A_1 = arith.constant 128 : i32
    %mul3A_2 = arith.muli %add3A, %mul3A_1 : i32
    %multiple_of3A = tpu.assume_multiple %mul3A_2, 128 : i32
    "tpu.region"() ({
      %run_scoped3A = tpu.sem_alloc : memref<!tpu.dma_semaphore, #tpu.memory_space<semaphore_mem>>
      %dma_start3A = arith.constant 0 : i32
      %dma_start3A_111 = tpu.memref_slice %arg2[%dma_start3A, %multiple_of3A] : memref<200x4096xi32, #tpu.memory_space<hbm>> -> memref<200x128xi32, #tpu.memory_space<hbm>>
      %dma_start3A_112 = arith.constant 0 : i32
      %dma_start3A_113 = tpu.memref_slice %arg2[%dma_start3A_112, %multiple_of3A] : memref<200x4096xi32, #tpu.memory_space<hbm>> -> memref<200x128xi32, #tpu.memory_space<hbm>>
      tpu.enqueue_dma source(%dma_start3A_113 : memref<200x128xi32, #tpu.memory_space<hbm>>) target(%arg5 : memref<200x128xi32, #tpu.memory_space<vmem>>) target_semaphore(%run_scoped3A : memref<!tpu.dma_semaphore, #tpu.memory_space<semaphore_mem>>)
      %dma_wait3A_114 = arith.constant 0 : i32
      %dma_wait3A_115 = tpu.memref_slice %arg2[%dma_wait3A_114, %multiple_of3A] : memref<200x4096xi32, #tpu.memory_space<hbm>> -> memref<200x128xi32, #tpu.memory_space<hbm>>
      %dma_wait3A_116 = arith.constant 0 : i32
      %dma_wait3A_117 = tpu.memref_slice %arg2[%dma_wait3A_116, %multiple_of3A] : memref<200x4096xi32, #tpu.memory_space<hbm>> -> memref<200x128xi32, #tpu.memory_space<hbm>>
      tpu.wait_dma2 semaphore(%run_scoped3A : memref<!tpu.dma_semaphore, #tpu.memory_space<semaphore_mem>>) src(%dma_wait3A_117 : memref<200x128xi32, #tpu.memory_space<hbm>>) dst(%arg5 : memref<200x128xi32, #tpu.memory_space<vmem>>)
      tpu.yield
    }) : () -> ()
    %scan3A = arith.constant 0 : i32
    %scan3A_3 = arith.constant 10 : i32
    %scan3A_4 = arith.addi %scan3A, %scan3A_3 : i32
    %scan3A_5 = arith.constant 1 : i32
    scf.for %scan3A_111 = %scan3A to %scan3A_4 step %scan3A_5  : i32 {
      %mul3A_112 = arith.constant 1 : i32
      %mul3A_113 = arith.muli %scan3A_111, %mul3A_112 : i32
      %add3A_114 = arith.constant 0 : i32
      %add3A_115 = arith.addi %add3A_114, %mul3A_113 : i32
      %mul3A_116 = arith.constant 20 : i32
      %mul3A_117 = arith.muli %add3A_115, %mul3A_116 : i32
      %add3A_118 = arith.constant 0 : i32
      %add3A_119 = arith.addi %mul3A_117, %add3A_118 : i32
      %mul3A_120 = arith.constant 128 : i32
      %mul3A_121 = arith.muli %add3A_119, %mul3A_120 : i32
      %multiple_of3A_122 = tpu.assume_multiple %mul3A_121, 128 : i32
      %dma_start3A = arith.constant 0 : i32
      %dma_start3A_123 = tpu.memref_slice %arg6[%multiple_of3A_122] : memref<25600xf32, #tpu.memory_space<vmem>> -> memref<128xf32, #tpu.memory_space<vmem>>
      %dma_start3A_124 = arith.constant 0 : i32
      %dma_start3A_125 = tpu.memref_slice %arg5[%add3A_119, %dma_start3A_124] : memref<200x128xi32, #tpu.memory_space<vmem>> -> memref<1x128xi32, #tpu.memory_space<vmem>>
      %dma_start3A_126 = tpu.memref_squeeze %dma_start3A_125 : memref<1x128xi32, #tpu.memory_space<vmem>> -> memref<128xi32, #tpu.memory_space<vmem>>
      %dma_start3A_127 = arith.constant 0 : i32
      %dma_start3A_128 = tpu.memref_slice %arg3[%dma_start3A, %dma_start3A_127] : memref<1x1000000xf32, #tpu.memory_space<hbm>> -> memref<1x1000000xf32, #tpu.memory_space<hbm>>
      %dma_start3A_129 = tpu.memref_squeeze %dma_start3A_128 : memref<1x1000000xf32, #tpu.memory_space<hbm>> -> memref<1000000xf32, #tpu.memory_space<hbm>>
      %dma_start3A_130 = arith.constant 0 : i32
      %dma_start3A_131 = tpu.memref_slice %dma_start3A_129[%dma_start3A_130] : memref<1000000xf32, #tpu.memory_space<hbm>> -> memref<1000000xf32, #tpu.memory_space<hbm>>
      tpu.enqueue_indirect_dma source(%dma_start3A_131 : memref<1000000xf32, #tpu.memory_space<hbm>>) target(%dma_start3A_123 : memref<128xf32, #tpu.memory_space<vmem>>) offsets(%dma_start3A_126 : memref<128xi32, #tpu.memory_space<vmem>>) semaphore(%arg8 : memref<!tpu.dma_semaphore, #tpu.memory_space<semaphore_mem>>)
      %mul3A_132 = arith.constant 20 : i32
      %mul3A_133 = arith.muli %add3A_115, %mul3A_132 : i32
      %add3A_134 = arith.constant 1 : i32
      %add3A_135 = arith.addi %mul3A_133, %add3A_134 : i32
      %mul3A_136 = arith.constant 128 : i32
      %mul3A_137 = arith.muli %add3A_135, %mul3A_136 : i32
      %multiple_of3A_138 = tpu.assume_multiple %mul3A_137, 128 : i32
      %dma_start3A_139 = arith.constant 0 : i32
      %dma_start3A_140 = tpu.memref_slice %arg6[%multiple_of3A_138] : memref<25600xf32, #tpu.memory_space<vmem>> -> memref<128xf32, #tpu.memory_space<vmem>>
      %dma_start3A_141 = arith.constant 0 : i32
      %dma_start3A_142 = tpu.memref_slice %arg5[%add3A_135, %dma_start3A_141] : memref<200x128xi32, #tpu.memory_space<vmem>> -> memref<1x128xi32, #tpu.memory_space<vmem>>
      %dma_start3A_143 = tpu.memref_squeeze %dma_start3A_142 : memref<1x128xi32, #tpu.memory_space<vmem>> -> memref<128xi32, #tpu.memory_space<vmem>>
      %dma_start3A_144 = arith.constant 0 : i32
      %dma_start3A_145 = tpu.memref_slice %arg3[%dma_start3A_139, %dma_start3A_144] : memref<1x1000000xf32, #tpu.memory_space<hbm>> -> memref<1x1000000xf32, #tpu.memory_space<hbm>>
      %dma_start3A_146 = tpu.memref_squeeze %dma_start3A_145 : memref<1x1000000xf32, #tpu.memory_space<hbm>> -> memref<1000000xf32, #tpu.memory_space<hbm>>
      %dma_start3A_147 = arith.constant 0 : i32
      %dma_start3A_148 = tpu.memref_slice %dma_start3A_146[%dma_start3A_147] : memref<1000000xf32, #tpu.memory_space<hbm>> -> memref<1000000xf32, #tpu.memory_space<hbm>>
      tpu.enqueue_indirect_dma source(%dma_start3A_148 : memref<1000000xf32, #tpu.memory_space<hbm>>) target(%dma_start3A_140 : memref<128xf32, #tpu.memory_space<vmem>>) offsets(%dma_start3A_143 : memref<128xi32, #tpu.memory_space<vmem>>) semaphore(%arg8 : memref<!tpu.dma_semaphore, #tpu.memory_space<semaphore_mem>>)
      %mul3A_149 = arith.constant 20 : i32
      %mul3A_150 = arith.muli %add3A_115, %mul3A_149 : i32
      %add3A_151 = arith.constant 2 : i32
      %add3A_152 = arith.addi %mul3A_150, %add3A_151 : i32
      %mul3A_153 = arith.constant 128 : i32
      %mul3A_154 = arith.muli %add3A_152, %mul3A_153 : i32
      %multiple_of3A_155 = tpu.assume_multiple %mul3A_154, 128 : i32
      %dma_start3A_156 = arith.constant 0 : i32
      %dma_start3A_157 = tpu.memref_slice %arg6[%multiple_of3A_155] : memref<25600xf32, #tpu.memory_space<vmem>> -> memref<128xf32, #tpu.memory_space<vmem>>
      %dma_start3A_158 = arith.constant 0 : i32
      %dma_start3A_159 = tpu.memref_slice %arg5[%add3A_152, %dma_start3A_158] : memref<200x128xi32, #tpu.memory_space<vmem>> -> memref<1x128xi32, #tpu.memory_space<vmem>>
      %dma_start3A_160 = tpu.memref_squeeze %dma_start3A_159 : memref<1x128xi32, #tpu.memory_space<vmem>> -> memref<128xi32, #tpu.memory_space<vmem>>
      %dma_start3A_161 = arith.constant 0 : i32
      %dma_start3A_162 = tpu.memref_slice %arg3[%dma_start3A_156, %dma_start3A_161] : memref<1x1000000xf32, #tpu.memory_space<hbm>> -> memref<1x1000000xf32, #tpu.memory_space<hbm>>
      %dma_start3A_163 = tpu.memref_squeeze %dma_start3A_162 : memref<1x1000000xf32, #tpu.memory_space<hbm>> -> memref<1000000xf32, #tpu.memory_space<hbm>>
      %dma_start3A_164 = arith.constant 0 : i32
      %dma_start3A_165 = tpu.memref_slice %dma_start3A_163[%dma_start3A_164] : memref<1000000xf32, #tpu.memory_space<hbm>> -> memref<1000000xf32, #tpu.memory_space<hbm>>
      tpu.enqueue_indirect_dma source(%dma_start3A_165 : memref<1000000xf32, #tpu.memory_space<hbm>>) target(%dma_start3A_157 : memref<128xf32, #tpu.memory_space<vmem>>) offsets(%dma_start3A_160 : memref<128xi32, #tpu.memory_space<vmem>>) semaphore(%arg8 : memref<!tpu.dma_semaphore, #tpu.memory_space<semaphore_mem>>)
      %mul3A_166 = arith.constant 20 : i32
      %mul3A_167 = arith.muli %add3A_115, %mul3A_166 : i32
      %add3A_168 = arith.constant 3 : i32
      %add3A_169 = arith.addi %mul3A_167, %add3A_168 : i32
      %mul3A_170 = arith.constant 128 : i32
      %mul3A_171 = arith.muli %add3A_169, %mul3A_170 : i32
      %multiple_of3A_172 = tpu.assume_multiple %mul3A_171, 128 : i32
      %dma_start3A_173 = arith.constant 0 : i32
      %dma_start3A_174 = tpu.memref_slice %arg6[%multiple_of3A_172] : memref<25600xf32, #tpu.memory_space<vmem>> -> memref<128xf32, #tpu.memory_space<vmem>>
      %dma_start3A_175 = arith.constant 0 : i32
      %dma_start3A_176 = tpu.memref_slice %arg5[%add3A_169, %dma_start3A_175] : memref<200x128xi32, #tpu.memory_space<vmem>> -> memref<1x128xi32, #tpu.memory_space<vmem>>
      %dma_start3A_177 = tpu.memref_squeeze %dma_start3A_176 : memref<1x128xi32, #tpu.memory_space<vmem>> -> memref<128xi32, #tpu.memory_space<vmem>>
      %dma_start3A_178 = arith.constant 0 : i32
      %dma_start3A_179 = tpu.memref_slice %arg3[%dma_start3A_173, %dma_start3A_178] : memref<1x1000000xf32, #tpu.memory_space<hbm>> -> memref<1x1000000xf32, #tpu.memory_space<hbm>>
      %dma_start3A_180 = tpu.memref_squeeze %dma_start3A_179 : memref<1x1000000xf32, #tpu.memory_space<hbm>> -> memref<1000000xf32, #tpu.memory_space<hbm>>
      %dma_start3A_181 = arith.constant 0 : i32
      %dma_start3A_182 = tpu.memref_slice %dma_start3A_180[%dma_start3A_181] : memref<1000000xf32, #tpu.memory_space<hbm>> -> memref<1000000xf32, #tpu.memory_space<hbm>>
      tpu.enqueue_indirect_dma source(%dma_start3A_182 : memref<1000000xf32, #tpu.memory_space<hbm>>) target(%dma_start3A_174 : memref<128xf32, #tpu.memory_space<vmem>>) offsets(%dma_start3A_177 : memref<128xi32, #tpu.memory_space<vmem>>) semaphore(%arg8 : memref<!tpu.dma_semaphore, #tpu.memory_space<semaphore_mem>>)
      %mul3A_183 = arith.constant 20 : i32
      %mul3A_184 = arith.muli %add3A_115, %mul3A_183 : i32
      %add3A_185 = arith.constant 4 : i32
      %add3A_186 = arith.addi %mul3A_184, %add3A_185 : i32
      %mul3A_187 = arith.constant 128 : i32
      %mul3A_188 = arith.muli %add3A_186, %mul3A_187 : i32
      %multiple_of3A_189 = tpu.assume_multiple %mul3A_188, 128 : i32
      %dma_start3A_190 = arith.constant 0 : i32
      %dma_start3A_191 = tpu.memref_slice %arg6[%multiple_of3A_189] : memref<25600xf32, #tpu.memory_space<vmem>> -> memref<128xf32, #tpu.memory_space<vmem>>
      %dma_start3A_192 = arith.constant 0 : i32
      %dma_start3A_193 = tpu.memref_slice %arg5[%add3A_186, %dma_start3A_192] : memref<200x128xi32, #tpu.memory_space<vmem>> -> memref<1x128xi32, #tpu.memory_space<vmem>>
      %dma_start3A_194 = tpu.memref_squeeze %dma_start3A_193 : memref<1x128xi32, #tpu.memory_space<vmem>> -> memref<128xi32, #tpu.memory_space<vmem>>
      %dma_start3A_195 = arith.constant 0 : i32
      %dma_start3A_196 = tpu.memref_slice %arg3[%dma_start3A_190, %dma_start3A_195] : memref<1x1000000xf32, #tpu.memory_space<hbm>> -> memref<1x1000000xf32, #tpu.memory_space<hbm>>
      %dma_start3A_197 = tpu.memref_squeeze %dma_start3A_196 : memref<1x1000000xf32, #tpu.memory_space<hbm>> -> memref<1000000xf32, #tpu.memory_space<hbm>>
      %dma_start3A_198 = arith.constant 0 : i32
      %dma_start3A_199 = tpu.memref_slice %dma_start3A_197[%dma_start3A_198] : memref<1000000xf32, #tpu.memory_space<hbm>> -> memref<1000000xf32, #tpu.memory_space<hbm>>
      tpu.enqueue_indirect_dma source(%dma_start3A_199 : memref<1000000xf32, #tpu.memory_space<hbm>>) target(%dma_start3A_191 : memref<128xf32, #tpu.memory_space<vmem>>) offsets(%dma_start3A_194 : memref<128xi32, #tpu.memory_space<vmem>>) semaphore(%arg8 : memref<!tpu.dma_semaphore, #tpu.memory_space<semaphore_mem>>)
      %mul3A_200 = arith.constant 20 : i32
      %mul3A_201 = arith.muli %add3A_115, %mul3A_200 : i32
      %add3A_202 = arith.constant 5 : i32
      %add3A_203 = arith.addi %mul3A_201, %add3A_202 : i32
      %mul3A_204 = arith.constant 128 : i32
      %mul3A_205 = arith.muli %add3A_203, %mul3A_204 : i32
      %multiple_of3A_206 = tpu.assume_multiple %mul3A_205, 128 : i32
      %dma_start3A_207 = arith.constant 0 : i32
      %dma_start3A_208 = tpu.memref_slice %arg6[%multiple_of3A_206] : memref<25600xf32, #tpu.memory_space<vmem>> -> memref<128xf32, #tpu.memory_space<vmem>>
      %dma_start3A_209 = arith.constant 0 : i32
      %dma_start3A_210 = tpu.memref_slice %arg5[%add3A_203, %dma_start3A_209] : memref<200x128xi32, #tpu.memory_space<vmem>> -> memref<1x128xi32, #tpu.memory_space<vmem>>
      %dma_start3A_211 = tpu.memref_squeeze %dma_start3A_210 : memref<1x128xi32, #tpu.memory_space<vmem>> -> memref<128xi32, #tpu.memory_space<vmem>>
      %dma_start3A_212 = arith.constant 0 : i32
      %dma_start3A_213 = tpu.memref_slice %arg3[%dma_start3A_207, %dma_start3A_212] : memref<1x1000000xf32, #tpu.memory_space<hbm>> -> memref<1x1000000xf32, #tpu.memory_space<hbm>>
      %dma_start3A_214 = tpu.memref_squeeze %dma_start3A_213 : memref<1x1000000xf32, #tpu.memory_space<hbm>> -> memref<1000000xf32, #tpu.memory_space<hbm>>
      %dma_start3A_215 = arith.constant 0 : i32
      %dma_start3A_216 = tpu.memref_slice %dma_start3A_214[%dma_start3A_215] : memref<1000000xf32, #tpu.memory_space<hbm>> -> memref<1000000xf32, #tpu.memory_space<hbm>>
      tpu.enqueue_indirect_dma source(%dma_start3A_216 : memref<1000000xf32, #tpu.memory_space<hbm>>) target(%dma_start3A_208 : memref<128xf32, #tpu.memory_space<vmem>>) offsets(%dma_start3A_211 : memref<128xi32, #tpu.memory_space<vmem>>) semaphore(%arg8 : memref<!tpu.dma_semaphore, #tpu.memory_space<semaphore_mem>>)
      %mul3A_217 = arith.constant 20 : i32
      %mul3A_218 = arith.muli %add3A_115, %mul3A_217 : i32
      %add3A_219 = arith.constant 6 : i32
      %add3A_220 = arith.addi %mul3A_218, %add3A_219 : i32
      %mul3A_221 = arith.constant 128 : i32
      %mul3A_222 = arith.muli %add3A_220, %mul3A_221 : i32
      %multiple_of3A_223 = tpu.assume_multiple %mul3A_222, 128 : i32
      %dma_start3A_224 = arith.constant 0 : i32
      %dma_start3A_225 = tpu.memref_slice %arg6[%multiple_of3A_223] : memref<25600xf32, #tpu.memory_space<vmem>> -> memref<128xf32, #tpu.memory_space<vmem>>
      %dma_start3A_226 = arith.constant 0 : i32
      %dma_start3A_227 = tpu.memref_slice %arg5[%add3A_220, %dma_start3A_226] : memref<200x128xi32, #tpu.memory_space<vmem>> -> memref<1x128xi32, #tpu.memory_space<vmem>>
      %dma_start3A_228 = tpu.memref_squeeze %dma_start3A_227 : memref<1x128xi32, #tpu.memory_space<vmem>> -> memref<128xi32, #tpu.memory_space<vmem>>
      %dma_start3A_229 = arith.constant 0 : i32
      %dma_start3A_230 = tpu.memref_slice %arg3[%dma_start3A_224, %dma_start3A_229] : memref<1x1000000xf32, #tpu.memory_space<hbm>> -> memref<1x1000000xf32, #tpu.memory_space<hbm>>
      %dma_start3A_231 = tpu.memref_squeeze %dma_start3A_230 : memref<1x1000000xf32, #tpu.memory_space<hbm>> -> memref<1000000xf32, #tpu.memory_space<hbm>>
      %dma_start3A_232 = arith.constant 0 : i32
      %dma_start3A_233 = tpu.memref_slice %dma_start3A_231[%dma_start3A_232] : memref<1000000xf32, #tpu.memory_space<hbm>> -> memref<1000000xf32, #tpu.memory_space<hbm>>
      tpu.enqueue_indirect_dma source(%dma_start3A_233 : memref<1000000xf32, #tpu.memory_space<hbm>>) target(%dma_start3A_225 : memref<128xf32, #tpu.memory_space<vmem>>) offsets(%dma_start3A_228 : memref<128xi32, #tpu.memory_space<vmem>>) semaphore(%arg8 : memref<!tpu.dma_semaphore, #tpu.memory_space<semaphore_mem>>)
      %mul3A_234 = arith.constant 20 : i32
      %mul3A_235 = arith.muli %add3A_115, %mul3A_234 : i32
      %add3A_236 = arith.constant 7 : i32
      %add3A_237 = arith.addi %mul3A_235, %add3A_236 : i32
      %mul3A_238 = arith.constant 128 : i32
      %mul3A_239 = arith.muli %add3A_237, %mul3A_238 : i32
      %multiple_of3A_240 = tpu.assume_multiple %mul3A_239, 128 : i32
      %dma_start3A_241 = arith.constant 0 : i32
      %dma_start3A_242 = tpu.memref_slice %arg6[%multiple_of3A_240] : memref<25600xf32, #tpu.memory_space<vmem>> -> memref<128xf32, #tpu.memory_space<vmem>>
      %dma_start3A_243 = arith.constant 0 : i32
      %dma_start3A_244 = tpu.memref_slice %arg5[%add3A_237, %dma_start3A_243] : memref<200x128xi32, #tpu.memory_space<vmem>> -> memref<1x128xi32, #tpu.memory_space<vmem>>
      %dma_start3A_245 = tpu.memref_squeeze %dma_start3A_244 : memref<1x128xi32, #tpu.memory_space<vmem>> -> memref<128xi32, #tpu.memory_space<vmem>>
      %dma_start3A_246 = arith.constant 0 : i32
      %dma_start3A_247 = tpu.memref_slice %arg3[%dma_start3A_241, %dma_start3A_246] : memref<1x1000000xf32, #tpu.memory_space<hbm>> -> memref<1x1000000xf32, #tpu.memory_space<hbm>>
      %dma_start3A_248 = tpu.memref_squeeze %dma_start3A_247 : memref<1x1000000xf32, #tpu.memory_space<hbm>> -> memref<1000000xf32, #tpu.memory_space<hbm>>
      %dma_start3A_249 = arith.constant 0 : i32
      %dma_start3A_250 = tpu.memref_slice %dma_start3A_248[%dma_start3A_249] : memref<1000000xf32, #tpu.memory_space<hbm>> -> memref<1000000xf32, #tpu.memory_space<hbm>>
      tpu.enqueue_indirect_dma source(%dma_start3A_250 : memref<1000000xf32, #tpu.memory_space<hbm>>) target(%dma_start3A_242 : memref<128xf32, #tpu.memory_space<vmem>>) offsets(%dma_start3A_245 : memref<128xi32, #tpu.memory_space<vmem>>) semaphore(%arg8 : memref<!tpu.dma_semaphore, #tpu.memory_space<semaphore_mem>>)
      %mul3A_251 = arith.constant 20 : i32
      %mul3A_252 = arith.muli %add3A_115, %mul3A_251 : i32
      %add3A_253 = arith.constant 8 : i32
      %add3A_254 = arith.addi %mul3A_252, %add3A_253 : i32
      %mul3A_255 = arith.constant 128 : i32
      %mul3A_256 = arith.muli %add3A_254, %mul3A_255 : i32
      %multiple_of3A_257 = tpu.assume_multiple %mul3A_256, 128 : i32
      %dma_start3A_258 = arith.constant 0 : i32
      %dma_start3A_259 = tpu.memref_slice %arg6[%multiple_of3A_257] : memref<25600xf32, #tpu.memory_space<vmem>> -> memref<128xf32, #tpu.memory_space<vmem>>
      %dma_start3A_260 = arith.constant 0 : i32
      %dma_start3A_261 = tpu.memref_slice %arg5[%add3A_254, %dma_start3A_260] : memref<200x128xi32, #tpu.memory_space<vmem>> -> memref<1x128xi32, #tpu.memory_space<vmem>>
      %dma_start3A_262 = tpu.memref_squeeze %dma_start3A_261 : memref<1x128xi32, #tpu.memory_space<vmem>> -> memref<128xi32, #tpu.memory_space<vmem>>
      %dma_start3A_263 = arith.constant 0 : i32
      %dma_start3A_264 = tpu.memref_slice %arg3[%dma_start3A_258, %dma_start3A_263] : memref<1x1000000xf32, #tpu.memory_space<hbm>> -> memref<1x1000000xf32, #tpu.memory_space<hbm>>
      %dma_start3A_265 = tpu.memref_squeeze %dma_start3A_264 : memref<1x1000000xf32, #tpu.memory_space<hbm>> -> memref<1000000xf32, #tpu.memory_space<hbm>>
      %dma_start3A_266 = arith.constant 0 : i32
      %dma_start3A_267 = tpu.memref_slice %dma_start3A_265[%dma_start3A_266] : memref<1000000xf32, #tpu.memory_space<hbm>> -> memref<1000000xf32, #tpu.memory_space<hbm>>
      tpu.enqueue_indirect_dma source(%dma_start3A_267 : memref<1000000xf32, #tpu.memory_space<hbm>>) target(%dma_start3A_259 : memref<128xf32, #tpu.memory_space<vmem>>) offsets(%dma_start3A_262 : memref<128xi32, #tpu.memory_space<vmem>>) semaphore(%arg8 : memref<!tpu.dma_semaphore, #tpu.memory_space<semaphore_mem>>)
      %mul3A_268 = arith.constant 20 : i32
      %mul3A_269 = arith.muli %add3A_115, %mul3A_268 : i32
      %add3A_270 = arith.constant 9 : i32
      %add3A_271 = arith.addi %mul3A_269, %add3A_270 : i32
      %mul3A_272 = arith.constant 128 : i32
      %mul3A_273 = arith.muli %add3A_271, %mul3A_272 : i32
      %multiple_of3A_274 = tpu.assume_multiple %mul3A_273, 128 : i32
      %dma_start3A_275 = arith.constant 0 : i32
      %dma_start3A_276 = tpu.memref_slice %arg6[%multiple_of3A_274] : memref<25600xf32, #tpu.memory_space<vmem>> -> memref<128xf32, #tpu.memory_space<vmem>>
      %dma_start3A_277 = arith.constant 0 : i32
      %dma_start3A_278 = tpu.memref_slice %arg5[%add3A_271, %dma_start3A_277] : memref<200x128xi32, #tpu.memory_space<vmem>> -> memref<1x128xi32, #tpu.memory_space<vmem>>
      %dma_start3A_279 = tpu.memref_squeeze %dma_start3A_278 : memref<1x128xi32, #tpu.memory_space<vmem>> -> memref<128xi32, #tpu.memory_space<vmem>>
      %dma_start3A_280 = arith.constant 0 : i32
      %dma_start3A_281 = tpu.memref_slice %arg3[%dma_start3A_275, %dma_start3A_280] : memref<1x1000000xf32, #tpu.memory_space<hbm>> -> memref<1x1000000xf32, #tpu.memory_space<hbm>>
      %dma_start3A_282 = tpu.memref_squeeze %dma_start3A_281 : memref<1x1000000xf32, #tpu.memory_space<hbm>> -> memref<1000000xf32, #tpu.memory_space<hbm>>
      %dma_start3A_283 = arith.constant 0 : i32
      %dma_start3A_284 = tpu.memref_slice %dma_start3A_282[%dma_start3A_283] : memref<1000000xf32, #tpu.memory_space<hbm>> -> memref<1000000xf32, #tpu.memory_space<hbm>>
      tpu.enqueue_indirect_dma source(%dma_start3A_284 : memref<1000000xf32, #tpu.memory_space<hbm>>) target(%dma_start3A_276 : memref<128xf32, #tpu.memory_space<vmem>>) offsets(%dma_start3A_279 : memref<128xi32, #tpu.memory_space<vmem>>) semaphore(%arg8 : memref<!tpu.dma_semaphore, #tpu.memory_space<semaphore_mem>>)
      %mul3A_285 = arith.constant 20 : i32
      %mul3A_286 = arith.muli %add3A_115, %mul3A_285 : i32
      %add3A_287 = arith.constant 10 : i32
      %add3A_288 = arith.addi %mul3A_286, %add3A_287 : i32
      %mul3A_289 = arith.constant 128 : i32
      %mul3A_290 = arith.muli %add3A_288, %mul3A_289 : i32
      %multiple_of3A_291 = tpu.assume_multiple %mul3A_290, 128 : i32
      %dma_start3A_292 = arith.constant 0 : i32
      %dma_start3A_293 = tpu.memref_slice %arg6[%multiple_of3A_291] : memref<25600xf32, #tpu.memory_space<vmem>> -> memref<128xf32, #tpu.memory_space<vmem>>
      %dma_start3A_294 = arith.constant 0 : i32
      %dma_start3A_295 = tpu.memref_slice %arg5[%add3A_288, %dma_start3A_294] : memref<200x128xi32, #tpu.memory_space<vmem>> -> memref<1x128xi32, #tpu.memory_space<vmem>>
      %dma_start3A_296 = tpu.memref_squeeze %dma_start3A_295 : memref<1x128xi32, #tpu.memory_space<vmem>> -> memref<128xi32, #tpu.memory_space<vmem>>
      %dma_start3A_297 = arith.constant 0 : i32
      %dma_start3A_298 = tpu.memref_slice %arg3[%dma_start3A_292, %dma_start3A_297] : memref<1x1000000xf32, #tpu.memory_space<hbm>> -> memref<1x1000000xf32, #tpu.memory_space<hbm>>
      %dma_start3A_299 = tpu.memref_squeeze %dma_start3A_298 : memref<1x1000000xf32, #tpu.memory_space<hbm>> -> memref<1000000xf32, #tpu.memory_space<hbm>>
      %dma_start3A_300 = arith.constant 0 : i32
      %dma_start3A_301 = tpu.memref_slice %dma_start3A_299[%dma_start3A_300] : memref<1000000xf32, #tpu.memory_space<hbm>> -> memref<1000000xf32, #tpu.memory_space<hbm>>
      tpu.enqueue_indirect_dma source(%dma_start3A_301 : memref<1000000xf32, #tpu.memory_space<hbm>>) target(%dma_start3A_293 : memref<128xf32, #tpu.memory_space<vmem>>) offsets(%dma_start3A_296 : memref<128xi32, #tpu.memory_space<vmem>>) semaphore(%arg8 : memref<!tpu.dma_semaphore, #tpu.memory_space<semaphore_mem>>)
      %mul3A_302 = arith.constant 20 : i32
      %mul3A_303 = arith.muli %add3A_115, %mul3A_302 : i32
      %add3A_304 = arith.constant 11 : i32
      %add3A_305 = arith.addi %mul3A_303, %add3A_304 : i32
      %mul3A_306 = arith.constant 128 : i32
      %mul3A_307 = arith.muli %add3A_305, %mul3A_306 : i32
      %multiple_of3A_308 = tpu.assume_multiple %mul3A_307, 128 : i32
      %dma_start3A_309 = arith.constant 0 : i32
      %dma_start3A_310 = tpu.memref_slice %arg6[%multiple_of3A_308] : memref<25600xf32, #tpu.memory_space<vmem>> -> memref<128xf32, #tpu.memory_space<vmem>>
      %dma_start3A_311 = arith.constant 0 : i32
      %dma_start3A_312 = tpu.memref_slice %arg5[%add3A_305, %dma_start3A_311] : memref<200x128xi32, #tpu.memory_space<vmem>> -> memref<1x128xi32, #tpu.memory_space<vmem>>
      %dma_start3A_313 = tpu.memref_squeeze %dma_start3A_312 : memref<1x128xi32, #tpu.memory_space<vmem>> -> memref<128xi32, #tpu.memory_space<vmem>>
      %dma_start3A_314 = arith.constant 0 : i32
      %dma_start3A_315 = tpu.memref_slice %arg3[%dma_start3A_309, %dma_start3A_314] : memref<1x1000000xf32, #tpu.memory_space<hbm>> -> memref<1x1000000xf32, #tpu.memory_space<hbm>>
      %dma_start3A_316 = tpu.memref_squeeze %dma_start3A_315 : memref<1x1000000xf32, #tpu.memory_space<hbm>> -> memref<1000000xf32, #tpu.memory_space<hbm>>
      %dma_start3A_317 = arith.constant 0 : i32
      %dma_start3A_318 = tpu.memref_slice %dma_start3A_316[%dma_start3A_317] : memref<1000000xf32, #tpu.memory_space<hbm>> -> memref<1000000xf32, #tpu.memory_space<hbm>>
      tpu.enqueue_indirect_dma source(%dma_start3A_318 : memref<1000000xf32, #tpu.memory_space<hbm>>) target(%dma_start3A_310 : memref<128xf32, #tpu.memory_space<vmem>>) offsets(%dma_start3A_313 : memref<128xi32, #tpu.memory_space<vmem>>) semaphore(%arg8 : memref<!tpu.dma_semaphore, #tpu.memory_space<semaphore_mem>>)
      %mul3A_319 = arith.constant 20 : i32
      %mul3A_320 = arith.muli %add3A_115, %mul3A_319 : i32
      %add3A_321 = arith.constant 12 : i32
      %add3A_322 = arith.addi %mul3A_320, %add3A_321 : i32
      %mul3A_323 = arith.constant 128 : i32
      %mul3A_324 = arith.muli %add3A_322, %mul3A_323 : i32
      %multiple_of3A_325 = tpu.assume_multiple %mul3A_324, 128 : i32
      %dma_start3A_326 = arith.constant 0 : i32
      %dma_start3A_327 = tpu.memref_slice %arg6[%multiple_of3A_325] : memref<25600xf32, #tpu.memory_space<vmem>> -> memref<128xf32, #tpu.memory_space<vmem>>
      %dma_start3A_328 = arith.constant 0 : i32
      %dma_start3A_329 = tpu.memref_slice %arg5[%add3A_322, %dma_start3A_328] : memref<200x128xi32, #tpu.memory_space<vmem>> -> memref<1x128xi32, #tpu.memory_space<vmem>>
      %dma_start3A_330 = tpu.memref_squeeze %dma_start3A_329 : memref<1x128xi32, #tpu.memory_space<vmem>> -> memref<128xi32, #tpu.memory_space<vmem>>
      %dma_start3A_331 = arith.constant 0 : i32
      %dma_start3A_332 = tpu.memref_slice %arg3[%dma_start3A_326, %dma_start3A_331] : memref<1x1000000xf32, #tpu.memory_space<hbm>> -> memref<1x1000000xf32, #tpu.memory_space<hbm>>
      %dma_start3A_333 = tpu.memref_squeeze %dma_start3A_332 : memref<1x1000000xf32, #tpu.memory_space<hbm>> -> memref<1000000xf32, #tpu.memory_space<hbm>>
      %dma_start3A_334 = arith.constant 0 : i32
      %dma_start3A_335 = tpu.memref_slice %dma_start3A_333[%dma_start3A_334] : memref<1000000xf32, #tpu.memory_space<hbm>> -> memref<1000000xf32, #tpu.memory_space<hbm>>
      tpu.enqueue_indirect_dma source(%dma_start3A_335 : memref<1000000xf32, #tpu.memory_space<hbm>>) target(%dma_start3A_327 : memref<128xf32, #tpu.memory_space<vmem>>) offsets(%dma_start3A_330 : memref<128xi32, #tpu.memory_space<vmem>>) semaphore(%arg8 : memref<!tpu.dma_semaphore, #tpu.memory_space<semaphore_mem>>)
      %mul3A_336 = arith.constant 20 : i32
      %mul3A_337 = arith.muli %add3A_115, %mul3A_336 : i32
      %add3A_338 = arith.constant 13 : i32
      %add3A_339 = arith.addi %mul3A_337, %add3A_338 : i32
      %mul3A_340 = arith.constant 128 : i32
      %mul3A_341 = arith.muli %add3A_339, %mul3A_340 : i32
      %multiple_of3A_342 = tpu.assume_multiple %mul3A_341, 128 : i32
      %dma_start3A_343 = arith.constant 0 : i32
      %dma_start3A_344 = tpu.memref_slice %arg6[%multiple_of3A_342] : memref<25600xf32, #tpu.memory_space<vmem>> -> memref<128xf32, #tpu.memory_space<vmem>>
      %dma_start3A_345 = arith.constant 0 : i32
      %dma_start3A_346 = tpu.memref_slice %arg5[%add3A_339, %dma_start3A_345] : memref<200x128xi32, #tpu.memory_space<vmem>> -> memref<1x128xi32, #tpu.memory_space<vmem>>
      %dma_start3A_347 = tpu.memref_squeeze %dma_start3A_346 : memref<1x128xi32, #tpu.memory_space<vmem>> -> memref<128xi32, #tpu.memory_space<vmem>>
      %dma_start3A_348 = arith.constant 0 : i32
      %dma_start3A_349 = tpu.memref_slice %arg3[%dma_start3A_343, %dma_start3A_348] : memref<1x1000000xf32, #tpu.memory_space<hbm>> -> memref<1x1000000xf32, #tpu.memory_space<hbm>>
      %dma_start3A_350 = tpu.memref_squeeze %dma_start3A_349 : memref<1x1000000xf32, #tpu.memory_space<hbm>> -> memref<1000000xf32, #tpu.memory_space<hbm>>
      %dma_start3A_351 = arith.constant 0 : i32
      %dma_start3A_352 = tpu.memref_slice %dma_start3A_350[%dma_start3A_351] : memref<1000000xf32, #tpu.memory_space<hbm>> -> memref<1000000xf32, #tpu.memory_space<hbm>>
      tpu.enqueue_indirect_dma source(%dma_start3A_352 : memref<1000000xf32, #tpu.memory_space<hbm>>) target(%dma_start3A_344 : memref<128xf32, #tpu.memory_space<vmem>>) offsets(%dma_start3A_347 : memref<128xi32, #tpu.memory_space<vmem>>) semaphore(%arg8 : memref<!tpu.dma_semaphore, #tpu.memory_space<semaphore_mem>>)
      %mul3A_353 = arith.constant 20 : i32
      %mul3A_354 = arith.muli %add3A_115, %mul3A_353 : i32
      %add3A_355 = arith.constant 14 : i32
      %add3A_356 = arith.addi %mul3A_354, %add3A_355 : i32
      %mul3A_357 = arith.constant 128 : i32
      %mul3A_358 = arith.muli %add3A_356, %mul3A_357 : i32
      %multiple_of3A_359 = tpu.assume_multiple %mul3A_358, 128 : i32
      %dma_start3A_360 = arith.constant 0 : i32
      %dma_start3A_361 = tpu.memref_slice %arg6[%multiple_of3A_359] : memref<25600xf32, #tpu.memory_space<vmem>> -> memref<128xf32, #tpu.memory_space<vmem>>
      %dma_start3A_362 = arith.constant 0 : i32
      %dma_start3A_363 = tpu.memref_slice %arg5[%add3A_356, %dma_start3A_362] : memref<200x128xi32, #tpu.memory_space<vmem>> -> memref<1x128xi32, #tpu.memory_space<vmem>>
      %dma_start3A_364 = tpu.memref_squeeze %dma_start3A_363 : memref<1x128xi32, #tpu.memory_space<vmem>> -> memref<128xi32, #tpu.memory_space<vmem>>
      %dma_start3A_365 = arith.constant 0 : i32
      %dma_start3A_366 = tpu.memref_slice %arg3[%dma_start3A_360, %dma_start3A_365] : memref<1x1000000xf32, #tpu.memory_space<hbm>> -> memref<1x1000000xf32, #tpu.memory_space<hbm>>
      %dma_start3A_367 = tpu.memref_squeeze %dma_start3A_366 : memref<1x1000000xf32, #tpu.memory_space<hbm>> -> memref<1000000xf32, #tpu.memory_space<hbm>>
      %dma_start3A_368 = arith.constant 0 : i32
      %dma_start3A_369 = tpu.memref_slice %dma_start3A_367[%dma_start3A_368] : memref<1000000xf32, #tpu.memory_space<hbm>> -> memref<1000000xf32, #tpu.memory_space<hbm>>
      tpu.enqueue_indirect_dma source(%dma_start3A_369 : memref<1000000xf32, #tpu.memory_space<hbm>>) target(%dma_start3A_361 : memref<128xf32, #tpu.memory_space<vmem>>) offsets(%dma_start3A_364 : memref<128xi32, #tpu.memory_space<vmem>>) semaphore(%arg8 : memref<!tpu.dma_semaphore, #tpu.memory_space<semaphore_mem>>)
      %mul3A_370 = arith.constant 20 : i32
      %mul3A_371 = arith.muli %add3A_115, %mul3A_370 : i32
      %add3A_372 = arith.constant 15 : i32
      %add3A_373 = arith.addi %mul3A_371, %add3A_372 : i32
      %mul3A_374 = arith.constant 128 : i32
      %mul3A_375 = arith.muli %add3A_373, %mul3A_374 : i32
      %multiple_of3A_376 = tpu.assume_multiple %mul3A_375, 128 : i32
      %dma_start3A_377 = arith.constant 0 : i32
      %dma_start3A_378 = tpu.memref_slice %arg6[%multiple_of3A_376] : memref<25600xf32, #tpu.memory_space<vmem>> -> memref<128xf32, #tpu.memory_space<vmem>>
      %dma_start3A_379 = arith.constant 0 : i32
      %dma_start3A_380 = tpu.memref_slice %arg5[%add3A_373, %dma_start3A_379] : memref<200x128xi32, #tpu.memory_space<vmem>> -> memref<1x128xi32, #tpu.memory_space<vmem>>
      %dma_start3A_381 = tpu.memref_squeeze %dma_start3A_380 : memref<1x128xi32, #tpu.memory_space<vmem>> -> memref<128xi32, #tpu.memory_space<vmem>>
      %dma_start3A_382 = arith.constant 0 : i32
      %dma_start3A_383 = tpu.memref_slice %arg3[%dma_start3A_377, %dma_start3A_382] : memref<1x1000000xf32, #tpu.memory_space<hbm>> -> memref<1x1000000xf32, #tpu.memory_space<hbm>>
      %dma_start3A_384 = tpu.memref_squeeze %dma_start3A_383 : memref<1x1000000xf32, #tpu.memory_space<hbm>> -> memref<1000000xf32, #tpu.memory_space<hbm>>
      %dma_start3A_385 = arith.constant 0 : i32
      %dma_start3A_386 = tpu.memref_slice %dma_start3A_384[%dma_start3A_385] : memref<1000000xf32, #tpu.memory_space<hbm>> -> memref<1000000xf32, #tpu.memory_space<hbm>>
      tpu.enqueue_indirect_dma source(%dma_start3A_386 : memref<1000000xf32, #tpu.memory_space<hbm>>) target(%dma_start3A_378 : memref<128xf32, #tpu.memory_space<vmem>>) offsets(%dma_start3A_381 : memref<128xi32, #tpu.memory_space<vmem>>) semaphore(%arg8 : memref<!tpu.dma_semaphore, #tpu.memory_space<semaphore_mem>>)
      %mul3A_387 = arith.constant 20 : i32
      %mul3A_388 = arith.muli %add3A_115, %mul3A_387 : i32
      %add3A_389 = arith.constant 16 : i32
      %add3A_390 = arith.addi %mul3A_388, %add3A_389 : i32
      %mul3A_391 = arith.constant 128 : i32
      %mul3A_392 = arith.muli %add3A_390, %mul3A_391 : i32
      %multiple_of3A_393 = tpu.assume_multiple %mul3A_392, 128 : i32
      %dma_start3A_394 = arith.constant 0 : i32
      %dma_start3A_395 = tpu.memref_slice %arg6[%multiple_of3A_393] : memref<25600xf32, #tpu.memory_space<vmem>> -> memref<128xf32, #tpu.memory_space<vmem>>
      %dma_start3A_396 = arith.constant 0 : i32
      %dma_start3A_397 = tpu.memref_slice %arg5[%add3A_390, %dma_start3A_396] : memref<200x128xi32, #tpu.memory_space<vmem>> -> memref<1x128xi32, #tpu.memory_space<vmem>>
      %dma_start3A_398 = tpu.memref_squeeze %dma_start3A_397 : memref<1x128xi32, #tpu.memory_space<vmem>> -> memref<128xi32, #tpu.memory_space<vmem>>
      %dma_start3A_399 = arith.constant 0 : i32
      %dma_start3A_400 = tpu.memref_slice %arg3[%dma_start3A_394, %dma_start3A_399] : memref<1x1000000xf32, #tpu.memory_space<hbm>> -> memref<1x1000000xf32, #tpu.memory_space<hbm>>
      %dma_start3A_401 = tpu.memref_squeeze %dma_start3A_400 : memref<1x1000000xf32, #tpu.memory_space<hbm>> -> memref<1000000xf32, #tpu.memory_space<hbm>>
      %dma_start3A_402 = arith.constant 0 : i32
      %dma_start3A_403 = tpu.memref_slice %dma_start3A_401[%dma_start3A_402] : memref<1000000xf32, #tpu.memory_space<hbm>> -> memref<1000000xf32, #tpu.memory_space<hbm>>
      tpu.enqueue_indirect_dma source(%dma_start3A_403 : memref<1000000xf32, #tpu.memory_space<hbm>>) target(%dma_start3A_395 : memref<128xf32, #tpu.memory_space<vmem>>) offsets(%dma_start3A_398 : memref<128xi32, #tpu.memory_space<vmem>>) semaphore(%arg8 : memref<!tpu.dma_semaphore, #tpu.memory_space<semaphore_mem>>)
      %mul3A_404 = arith.constant 20 : i32
      %mul3A_405 = arith.muli %add3A_115, %mul3A_404 : i32
      %add3A_406 = arith.constant 17 : i32
      %add3A_407 = arith.addi %mul3A_405, %add3A_406 : i32
      %mul3A_408 = arith.constant 128 : i32
      %mul3A_409 = arith.muli %add3A_407, %mul3A_408 : i32
      %multiple_of3A_410 = tpu.assume_multiple %mul3A_409, 128 : i32
      %dma_start3A_411 = arith.constant 0 : i32
      %dma_start3A_412 = tpu.memref_slice %arg6[%multiple_of3A_410] : memref<25600xf32, #tpu.memory_space<vmem>> -> memref<128xf32, #tpu.memory_space<vmem>>
      %dma_start3A_413 = arith.constant 0 : i32
      %dma_start3A_414 = tpu.memref_slice %arg5[%add3A_407, %dma_start3A_413] : memref<200x128xi32, #tpu.memory_space<vmem>> -> memref<1x128xi32, #tpu.memory_space<vmem>>
      %dma_start3A_415 = tpu.memref_squeeze %dma_start3A_414 : memref<1x128xi32, #tpu.memory_space<vmem>> -> memref<128xi32, #tpu.memory_space<vmem>>
      %dma_start3A_416 = arith.constant 0 : i32
      %dma_start3A_417 = tpu.memref_slice %arg3[%dma_start3A_411, %dma_start3A_416] : memref<1x1000000xf32, #tpu.memory_space<hbm>> -> memref<1x1000000xf32, #tpu.memory_space<hbm>>
      %dma_start3A_418 = tpu.memref_squeeze %dma_start3A_417 : memref<1x1000000xf32, #tpu.memory_space<hbm>> -> memref<1000000xf32, #tpu.memory_space<hbm>>
      %dma_start3A_419 = arith.constant 0 : i32
      %dma_start3A_420 = tpu.memref_slice %dma_start3A_418[%dma_start3A_419] : memref<1000000xf32, #tpu.memory_space<hbm>> -> memref<1000000xf32, #tpu.memory_space<hbm>>
      tpu.enqueue_indirect_dma source(%dma_start3A_420 : memref<1000000xf32, #tpu.memory_space<hbm>>) target(%dma_start3A_412 : memref<128xf32, #tpu.memory_space<vmem>>) offsets(%dma_start3A_415 : memref<128xi32, #tpu.memory_space<vmem>>) semaphore(%arg8 : memref<!tpu.dma_semaphore, #tpu.memory_space<semaphore_mem>>)
      %mul3A_421 = arith.constant 20 : i32
      %mul3A_422 = arith.muli %add3A_115, %mul3A_421 : i32
      %add3A_423 = arith.constant 18 : i32
      %add3A_424 = arith.addi %mul3A_422, %add3A_423 : i32
      %mul3A_425 = arith.constant 128 : i32
      %mul3A_426 = arith.muli %add3A_424, %mul3A_425 : i32
      %multiple_of3A_427 = tpu.assume_multiple %mul3A_426, 128 : i32
      %dma_start3A_428 = arith.constant 0 : i32
      %dma_start3A_429 = tpu.memref_slice %arg6[%multiple_of3A_427] : memref<25600xf32, #tpu.memory_space<vmem>> -> memref<128xf32, #tpu.memory_space<vmem>>
      %dma_start3A_430 = arith.constant 0 : i32
      %dma_start3A_431 = tpu.memref_slice %arg5[%add3A_424, %dma_start3A_430] : memref<200x128xi32, #tpu.memory_space<vmem>> -> memref<1x128xi32, #tpu.memory_space<vmem>>
      %dma_start3A_432 = tpu.memref_squeeze %dma_start3A_431 : memref<1x128xi32, #tpu.memory_space<vmem>> -> memref<128xi32, #tpu.memory_space<vmem>>
      %dma_start3A_433 = arith.constant 0 : i32
      %dma_start3A_434 = tpu.memref_slice %arg3[%dma_start3A_428, %dma_start3A_433] : memref<1x1000000xf32, #tpu.memory_space<hbm>> -> memref<1x1000000xf32, #tpu.memory_space<hbm>>
      %dma_start3A_435 = tpu.memref_squeeze %dma_start3A_434 : memref<1x1000000xf32, #tpu.memory_space<hbm>> -> memref<1000000xf32, #tpu.memory_space<hbm>>
      %dma_start3A_436 = arith.constant 0 : i32
      %dma_start3A_437 = tpu.memref_slice %dma_start3A_435[%dma_start3A_436] : memref<1000000xf32, #tpu.memory_space<hbm>> -> memref<1000000xf32, #tpu.memory_space<hbm>>
      tpu.enqueue_indirect_dma source(%dma_start3A_437 : memref<1000000xf32, #tpu.memory_space<hbm>>) target(%dma_start3A_429 : memref<128xf32, #tpu.memory_space<vmem>>) offsets(%dma_start3A_432 : memref<128xi32, #tpu.memory_space<vmem>>) semaphore(%arg8 : memref<!tpu.dma_semaphore, #tpu.memory_space<semaphore_mem>>)
      %mul3A_438 = arith.constant 20 : i32
      %mul3A_439 = arith.muli %add3A_115, %mul3A_438 : i32
      %add3A_440 = arith.constant 19 : i32
      %add3A_441 = arith.addi %mul3A_439, %add3A_440 : i32
      %mul3A_442 = arith.constant 128 : i32
      %mul3A_443 = arith.muli %add3A_441, %mul3A_442 : i32
      %multiple_of3A_444 = tpu.assume_multiple %mul3A_443, 128 : i32
      %dma_start3A_445 = arith.constant 0 : i32
      %dma_start3A_446 = tpu.memref_slice %arg6[%multiple_of3A_444] : memref<25600xf32, #tpu.memory_space<vmem>> -> memref<128xf32, #tpu.memory_space<vmem>>
      %dma_start3A_447 = arith.constant 0 : i32
      %dma_start3A_448 = tpu.memref_slice %arg5[%add3A_441, %dma_start3A_447] : memref<200x128xi32, #tpu.memory_space<vmem>> -> memref<1x128xi32, #tpu.memory_space<vmem>>
      %dma_start3A_449 = tpu.memref_squeeze %dma_start3A_448 : memref<1x128xi32, #tpu.memory_space<vmem>> -> memref<128xi32, #tpu.memory_space<vmem>>
      %dma_start3A_450 = arith.constant 0 : i32
      %dma_start3A_451 = tpu.memref_slice %arg3[%dma_start3A_445, %dma_start3A_450] : memref<1x1000000xf32, #tpu.memory_space<hbm>> -> memref<1x1000000xf32, #tpu.memory_space<hbm>>
      %dma_start3A_452 = tpu.memref_squeeze %dma_start3A_451 : memref<1x1000000xf32, #tpu.memory_space<hbm>> -> memref<1000000xf32, #tpu.memory_space<hbm>>
      %dma_start3A_453 = arith.constant 0 : i32
      %dma_start3A_454 = tpu.memref_slice %dma_start3A_452[%dma_start3A_453] : memref<1000000xf32, #tpu.memory_space<hbm>> -> memref<1000000xf32, #tpu.memory_space<hbm>>
      tpu.enqueue_indirect_dma source(%dma_start3A_454 : memref<1000000xf32, #tpu.memory_space<hbm>>) target(%dma_start3A_446 : memref<128xf32, #tpu.memory_space<vmem>>) offsets(%dma_start3A_449 : memref<128xi32, #tpu.memory_space<vmem>>) semaphore(%arg8 : memref<!tpu.dma_semaphore, #tpu.memory_space<semaphore_mem>>)
    }
    %scan3A_6 = arith.constant 10 : i32
    %dma_wait3A = arith.constant 0 : i32
    %dma_wait3A_7 = arith.constant 0 : i32
    %dma_wait3A_8 = tpu.memref_slice %arg3[%dma_wait3A, %dma_wait3A_7] : memref<1x1000000xf32, #tpu.memory_space<hbm>> -> memref<1x1000000xf32, #tpu.memory_space<hbm>>
    %dma_wait3A_9 = tpu.memref_squeeze %dma_wait3A_8 : memref<1x1000000xf32, #tpu.memory_space<hbm>> -> memref<1000000xf32, #tpu.memory_space<hbm>>
    %dma_wait3A_10 = arith.constant 0 : i32
    %dma_wait3A_11 = tpu.memref_slice %dma_wait3A_9[%dma_wait3A_10] : memref<1000000xf32, #tpu.memory_space<hbm>> -> memref<25600xf32, #tpu.memory_space<hbm>>
    %dma_wait3A_12 = arith.constant 0 : i32
    %dma_wait3A_13 = tpu.memref_slice %arg3[%dma_wait3A, %dma_wait3A_12] : memref<1x1000000xf32, #tpu.memory_space<hbm>> -> memref<1x1000000xf32, #tpu.memory_space<hbm>>
    %dma_wait3A_14 = tpu.memref_squeeze %dma_wait3A_13 : memref<1x1000000xf32, #tpu.memory_space<hbm>> -> memref<1000000xf32, #tpu.memory_space<hbm>>
    %dma_wait3A_15 = arith.constant 0 : i32
    %dma_wait3A_16 = tpu.memref_slice %dma_wait3A_14[%dma_wait3A_15] : memref<1000000xf32, #tpu.memory_space<hbm>> -> memref<25600xf32, #tpu.memory_space<hbm>>
    tpu.wait_dma2 semaphore(%arg8 : memref<!tpu.dma_semaphore, #tpu.memory_space<semaphore_mem>>) src(%dma_wait3A_16 : memref<25600xf32, #tpu.memory_space<hbm>>) dst(%arg6 : memref<25600xf32, #tpu.memory_space<vmem>>)
    %broadcast_in_dim3A = arith.constant 0.000000e+00 : f32
    %broadcast_in_dim3A_17 = vector.broadcast %broadcast_in_dim3A : f32 to vector<16xf32>
    %scan3A_18 = arith.constant 0 : i32
    %scan3A_19 = arith.constant 200 : i32
    %scan3A_20 = arith.addi %scan3A_18, %scan3A_19 : i32
    %scan3A_21 = arith.constant 8 : i32
    %scan3A_22 = scf.for %scan3A_111 = %scan3A_18 to %scan3A_20 step %scan3A_21 iter_args(%scan3A_112 = %broadcast_in_dim3A_17) -> (vector<16xf32>)  : i32 {
      %mul3A_113 = arith.constant 1 : i32
      %mul3A_114 = arith.muli %scan3A_111, %mul3A_113 : i32
      %add3A_115 = arith.constant 0 : i32
      %add3A_116 = arith.addi %add3A_115, %mul3A_114 : i32
      %mul3A_117 = arith.constant 128 : i32
      %mul3A_118 = arith.muli %add3A_116, %mul3A_117 : i32
      %add3A_119 = arith.constant 0 : i32
      %add3A_120 = arith.addi %mul3A_118, %add3A_119 : i32
      %get3A = arith.index_cast %add3A_120 : i32 to index
      %get3A_121 = tpu.vector_load %arg6[%get3A] {strides = array<i32>} : memref<25600xf32, #tpu.memory_space<vmem>>, vector<16xf32>,
      %get3A_122 = vector.shape_cast %get3A_121 : vector<16xf32> to vector<16xf32>
      %add3A_123 = arith.addf %scan3A_112, %get3A_122 : vector<16xf32>
      %scan3A_124 = arith.constant 1 : i32
      %scan3A_125 = arith.addi %scan3A_111, %scan3A_124 : i32
      %mul3A_126 = arith.constant 1 : i32
      %mul3A_127 = arith.muli %scan3A_125, %mul3A_126 : i32
      %add3A_128 = arith.constant 0 : i32
      %add3A_129 = arith.addi %add3A_128, %mul3A_127 : i32
      %mul3A_130 = arith.constant 128 : i32
      %mul3A_131 = arith.muli %add3A_129, %mul3A_130 : i32
      %add3A_132 = arith.constant 0 : i32
      %add3A_133 = arith.addi %mul3A_131, %add3A_132 : i32
      %get3A_134 = arith.index_cast %add3A_133 : i32 to index
      %get3A_135 = tpu.vector_load %arg6[%get3A_134] {strides = array<i32>} : memref<25600xf32, #tpu.memory_space<vmem>>, vector<16xf32>,
      %get3A_136 = vector.shape_cast %get3A_135 : vector<16xf32> to vector<16xf32>
      %add3A_137 = arith.addf %add3A_123, %get3A_136 : vector<16xf32>
      %scan3A_138 = arith.constant 2 : i32
      %scan3A_139 = arith.addi %scan3A_111, %scan3A_138 : i32
      %mul3A_140 = arith.constant 1 : i32
      %mul3A_141 = arith.muli %scan3A_139, %mul3A_140 : i32
      %add3A_142 = arith.constant 0 : i32
      %add3A_143 = arith.addi %add3A_142, %mul3A_141 : i32
      %mul3A_144 = arith.constant 128 : i32
      %mul3A_145 = arith.muli %add3A_143, %mul3A_144 : i32
      %add3A_146 = arith.constant 0 : i32
      %add3A_147 = arith.addi %mul3A_145, %add3A_146 : i32
      %get3A_148 = arith.index_cast %add3A_147 : i32 to index
      %get3A_149 = tpu.vector_load %arg6[%get3A_148] {strides = array<i32>} : memref<25600xf32, #tpu.memory_space<vmem>>, vector<16xf32>,
      %get3A_150 = vector.shape_cast %get3A_149 : vector<16xf32> to vector<16xf32>
      %add3A_151 = arith.addf %add3A_137, %get3A_150 : vector<16xf32>
      %scan3A_152 = arith.constant 3 : i32
      %scan3A_153 = arith.addi %scan3A_111, %scan3A_152 : i32
      %mul3A_154 = arith.constant 1 : i32
      %mul3A_155 = arith.muli %scan3A_153, %mul3A_154 : i32
      %add3A_156 = arith.constant 0 : i32
      %add3A_157 = arith.addi %add3A_156, %mul3A_155 : i32
      %mul3A_158 = arith.constant 128 : i32
      %mul3A_159 = arith.muli %add3A_157, %mul3A_158 : i32
      %add3A_160 = arith.constant 0 : i32
      %add3A_161 = arith.addi %mul3A_159, %add3A_160 : i32
      %get3A_162 = arith.index_cast %add3A_161 : i32 to index
      %get3A_163 = tpu.vector_load %arg6[%get3A_162] {strides = array<i32>} : memref<25600xf32, #tpu.memory_space<vmem>>, vector<16xf32>,
      %get3A_164 = vector.shape_cast %get3A_163 : vector<16xf32> to vector<16xf32>
      %add3A_165 = arith.addf %add3A_151, %get3A_164 : vector<16xf32>
      %scan3A_166 = arith.constant 4 : i32
      %scan3A_167 = arith.addi %scan3A_111, %scan3A_166 : i32
      %mul3A_168 = arith.constant 1 : i32
      %mul3A_169 = arith.muli %scan3A_167, %mul3A_168 : i32
      %add3A_170 = arith.constant 0 : i32
      %add3A_171 = arith.addi %add3A_170, %mul3A_169 : i32
      %mul3A_172 = arith.constant 128 : i32
      %mul3A_173 = arith.muli %add3A_171, %mul3A_172 : i32
      %add3A_174 = arith.constant 0 : i32
      %add3A_175 = arith.addi %mul3A_173, %add3A_174 : i32
      %get3A_176 = arith.index_cast %add3A_175 : i32 to index
      %get3A_177 = tpu.vector_load %arg6[%get3A_176] {strides = array<i32>} : memref<25600xf32, #tpu.memory_space<vmem>>, vector<16xf32>,
      %get3A_178 = vector.shape_cast %get3A_177 : vector<16xf32> to vector<16xf32>
      %add3A_179 = arith.addf %add3A_165, %get3A_178 : vector<16xf32>
      %scan3A_180 = arith.constant 5 : i32
      %scan3A_181 = arith.addi %scan3A_111, %scan3A_180 : i32
      %mul3A_182 = arith.constant 1 : i32
      %mul3A_183 = arith.muli %scan3A_181, %mul3A_182 : i32
      %add3A_184 = arith.constant 0 : i32
      %add3A_185 = arith.addi %add3A_184, %mul3A_183 : i32
      %mul3A_186 = arith.constant 128 : i32
      %mul3A_187 = arith.muli %add3A_185, %mul3A_186 : i32
      %add3A_188 = arith.constant 0 : i32
      %add3A_189 = arith.addi %mul3A_187, %add3A_188 : i32
      %get3A_190 = arith.index_cast %add3A_189 : i32 to index
      %get3A_191 = tpu.vector_load %arg6[%get3A_190] {strides = array<i32>} : memref<25600xf32, #tpu.memory_space<vmem>>, vector<16xf32>,
      %get3A_192 = vector.shape_cast %get3A_191 : vector<16xf32> to vector<16xf32>
      %add3A_193 = arith.addf %add3A_179, %get3A_192 : vector<16xf32>
      %scan3A_194 = arith.constant 6 : i32
      %scan3A_195 = arith.addi %scan3A_111, %scan3A_194 : i32
      %mul3A_196 = arith.constant 1 : i32
      %mul3A_197 = arith.muli %scan3A_195, %mul3A_196 : i32
      %add3A_198 = arith.constant 0 : i32
      %add3A_199 = arith.addi %add3A_198, %mul3A_197 : i32
      %mul3A_200 = arith.constant 128 : i32
      %mul3A_201 = arith.muli %add3A_199, %mul3A_200 : i32
      %add3A_202 = arith.constant 0 : i32
      %add3A_203 = arith.addi %mul3A_201, %add3A_202 : i32
      %get3A_204 = arith.index_cast %add3A_203 : i32 to index
      %get3A_205 = tpu.vector_load %arg6[%get3A_204] {strides = array<i32>} : memref<25600xf32, #tpu.memory_space<vmem>>, vector<16xf32>,
      %get3A_206 = vector.shape_cast %get3A_205 : vector<16xf32> to vector<16xf32>
      %add3A_207 = arith.addf %add3A_193, %get3A_206 : vector<16xf32>
      %scan3A_208 = arith.constant 7 : i32
      %scan3A_209 = arith.addi %scan3A_111, %scan3A_208 : i32
      %mul3A_210 = arith.constant 1 : i32
      %mul3A_211 = arith.muli %scan3A_209, %mul3A_210 : i32
      %add3A_212 = arith.constant 0 : i32
      %add3A_213 = arith.addi %add3A_212, %mul3A_211 : i32
      %mul3A_214 = arith.constant 128 : i32
      %mul3A_215 = arith.muli %add3A_213, %mul3A_214 : i32
      %add3A_216 = arith.constant 0 : i32
      %add3A_217 = arith.addi %mul3A_215, %add3A_216 : i32
      %get3A_218 = arith.index_cast %add3A_217 : i32 to index
      %get3A_219 = tpu.vector_load %arg6[%get3A_218] {strides = array<i32>} : memref<25600xf32, #tpu.memory_space<vmem>>, vector<16xf32>,
      %get3A_220 = vector.shape_cast %get3A_219 : vector<16xf32> to vector<16xf32>
      %add3A_221 = arith.addf %add3A_207, %get3A_220 : vector<16xf32>
      scf.yield %add3A_221 : vector<16xf32>
    }
    %scan3A_23 = arith.constant 200 : i32
    %swap3A = arith.constant 0 : index
    %swap3A_24 = tpu.vector_load %arg7[%swap3A] {strides = array<i32>} : memref<128xf32, #tpu.memory_space<vmem>>, vector<16xf32>,
    %swap3A_25 = vector.shape_cast %swap3A_24 : vector<16xf32> to vector<16xf32>
    %swap3A_26 = vector.shape_cast %scan3A_22 : vector<16xf32> to vector<16xf32>
    tpu.vector_store %arg7[%swap3A], %swap3A_26 {strides = array<i32>} : memref<128xf32, #tpu.memory_space<vmem>>, vector<16xf32>,
    %broadcast_in_dim3A_27 = arith.constant 0.000000e+00 : f32
    %broadcast_in_dim3A_28 = vector.broadcast %broadcast_in_dim3A_27 : f32 to vector<16xf32>
    %scan3A_29 = arith.constant 0 : i32
    %scan3A_30 = arith.constant 200 : i32
    %scan3A_31 = arith.addi %scan3A_29, %scan3A_30 : i32
    %scan3A_32 = arith.constant 8 : i32
    %scan3A_33 = scf.for %scan3A_111 = %scan3A_29 to %scan3A_31 step %scan3A_32 iter_args(%scan3A_112 = %broadcast_in_dim3A_28) -> (vector<16xf32>)  : i32 {
      %mul3A_113 = arith.constant 1 : i32
      %mul3A_114 = arith.muli %scan3A_111, %mul3A_113 : i32
      %add3A_115 = arith.constant 0 : i32
      %add3A_116 = arith.addi %add3A_115, %mul3A_114 : i32
      %mul3A_117 = arith.constant 128 : i32
      %mul3A_118 = arith.muli %add3A_116, %mul3A_117 : i32
      %add3A_119 = arith.constant 16 : i32
      %add3A_120 = arith.addi %mul3A_118, %add3A_119 : i32
      %get3A = arith.index_cast %add3A_120 : i32 to index
      %get3A_121 = tpu.vector_load %arg6[%get3A] {strides = array<i32>} : memref<25600xf32, #tpu.memory_space<vmem>>, vector<16xf32>,
      %get3A_122 = vector.shape_cast %get3A_121 : vector<16xf32> to vector<16xf32>
      %add3A_123 = arith.addf %scan3A_112, %get3A_122 : vector<16xf32>
      %scan3A_124 = arith.constant 1 : i32
      %scan3A_125 = arith.addi %scan3A_111, %scan3A_124 : i32
      %mul3A_126 = arith.constant 1 : i32
      %mul3A_127 = arith.muli %scan3A_125, %mul3A_126 : i32
      %add3A_128 = arith.constant 0 : i32
      %add3A_129 = arith.addi %add3A_128, %mul3A_127 : i32
      %mul3A_130 = arith.constant 128 : i32
      %mul3A_131 = arith.muli %add3A_129, %mul3A_130 : i32
      %add3A_132 = arith.constant 16 : i32
      %add3A_133 = arith.addi %mul3A_131, %add3A_132 : i32
      %get3A_134 = arith.index_cast %add3A_133 : i32 to index
      %get3A_135 = tpu.vector_load %arg6[%get3A_134] {strides = array<i32>} : memref<25600xf32, #tpu.memory_space<vmem>>, vector<16xf32>,
      %get3A_136 = vector.shape_cast %get3A_135 : vector<16xf32> to vector<16xf32>
      %add3A_137 = arith.addf %add3A_123, %get3A_136 : vector<16xf32>
      %scan3A_138 = arith.constant 2 : i32
      %scan3A_139 = arith.addi %scan3A_111, %scan3A_138 : i32
      %mul3A_140 = arith.constant 1 : i32
      %mul3A_141 = arith.muli %scan3A_139, %mul3A_140 : i32
      %add3A_142 = arith.constant 0 : i32
      %add3A_143 = arith.addi %add3A_142, %mul3A_141 : i32
      %mul3A_144 = arith.constant 128 : i32
      %mul3A_145 = arith.muli %add3A_143, %mul3A_144 : i32
      %add3A_146 = arith.constant 16 : i32
      %add3A_147 = arith.addi %mul3A_145, %add3A_146 : i32
      %get3A_148 = arith.index_cast %add3A_147 : i32 to index
      %get3A_149 = tpu.vector_load %arg6[%get3A_148] {strides = array<i32>} : memref<25600xf32, #tpu.memory_space<vmem>>, vector<16xf32>,
      %get3A_150 = vector.shape_cast %get3A_149 : vector<16xf32> to vector<16xf32>
      %add3A_151 = arith.addf %add3A_137, %get3A_150 : vector<16xf32>
      %scan3A_152 = arith.constant 3 : i32
      %scan3A_153 = arith.addi %scan3A_111, %scan3A_152 : i32
      %mul3A_154 = arith.constant 1 : i32
      %mul3A_155 = arith.muli %scan3A_153, %mul3A_154 : i32
      %add3A_156 = arith.constant 0 : i32
      %add3A_157 = arith.addi %add3A_156, %mul3A_155 : i32
      %mul3A_158 = arith.constant 128 : i32
      %mul3A_159 = arith.muli %add3A_157, %mul3A_158 : i32
      %add3A_160 = arith.constant 16 : i32
      %add3A_161 = arith.addi %mul3A_159, %add3A_160 : i32
      %get3A_162 = arith.index_cast %add3A_161 : i32 to index
      %get3A_163 = tpu.vector_load %arg6[%get3A_162] {strides = array<i32>} : memref<25600xf32, #tpu.memory_space<vmem>>, vector<16xf32>,
      %get3A_164 = vector.shape_cast %get3A_163 : vector<16xf32> to vector<16xf32>
      %add3A_165 = arith.addf %add3A_151, %get3A_164 : vector<16xf32>
      %scan3A_166 = arith.constant 4 : i32
      %scan3A_167 = arith.addi %scan3A_111, %scan3A_166 : i32
      %mul3A_168 = arith.constant 1 : i32
      %mul3A_169 = arith.muli %scan3A_167, %mul3A_168 : i32
      %add3A_170 = arith.constant 0 : i32
      %add3A_171 = arith.addi %add3A_170, %mul3A_169 : i32
      %mul3A_172 = arith.constant 128 : i32
      %mul3A_173 = arith.muli %add3A_171, %mul3A_172 : i32
      %add3A_174 = arith.constant 16 : i32
      %add3A_175 = arith.addi %mul3A_173, %add3A_174 : i32
      %get3A_176 = arith.index_cast %add3A_175 : i32 to index
      %get3A_177 = tpu.vector_load %arg6[%get3A_176] {strides = array<i32>} : memref<25600xf32, #tpu.memory_space<vmem>>, vector<16xf32>,
      %get3A_178 = vector.shape_cast %get3A_177 : vector<16xf32> to vector<16xf32>
      %add3A_179 = arith.addf %add3A_165, %get3A_178 : vector<16xf32>
      %scan3A_180 = arith.constant 5 : i32
      %scan3A_181 = arith.addi %scan3A_111, %scan3A_180 : i32
      %mul3A_182 = arith.constant 1 : i32
      %mul3A_183 = arith.muli %scan3A_181, %mul3A_182 : i32
      %add3A_184 = arith.constant 0 : i32
      %add3A_185 = arith.addi %add3A_184, %mul3A_183 : i32
      %mul3A_186 = arith.constant 128 : i32
      %mul3A_187 = arith.muli %add3A_185, %mul3A_186 : i32
      %add3A_188 = arith.constant 16 : i32
      %add3A_189 = arith.addi %mul3A_187, %add3A_188 : i32
      %get3A_190 = arith.index_cast %add3A_189 : i32 to index
      %get3A_191 = tpu.vector_load %arg6[%get3A_190] {strides = array<i32>} : memref<25600xf32, #tpu.memory_space<vmem>>, vector<16xf32>,
      %get3A_192 = vector.shape_cast %get3A_191 : vector<16xf32> to vector<16xf32>
      %add3A_193 = arith.addf %add3A_179, %get3A_192 : vector<16xf32>
      %scan3A_194 = arith.constant 6 : i32
      %scan3A_195 = arith.addi %scan3A_111, %scan3A_194 : i32
      %mul3A_196 = arith.constant 1 : i32
      %mul3A_197 = arith.muli %scan3A_195, %mul3A_196 : i32
      %add3A_198 = arith.constant 0 : i32
      %add3A_199 = arith.addi %add3A_198, %mul3A_197 : i32
      %mul3A_200 = arith.constant 128 : i32
      %mul3A_201 = arith.muli %add3A_199, %mul3A_200 : i32
      %add3A_202 = arith.constant 16 : i32
      %add3A_203 = arith.addi %mul3A_201, %add3A_202 : i32
      %get3A_204 = arith.index_cast %add3A_203 : i32 to index
      %get3A_205 = tpu.vector_load %arg6[%get3A_204] {strides = array<i32>} : memref<25600xf32, #tpu.memory_space<vmem>>, vector<16xf32>,
      %get3A_206 = vector.shape_cast %get3A_205 : vector<16xf32> to vector<16xf32>
      %add3A_207 = arith.addf %add3A_193, %get3A_206 : vector<16xf32>
      %scan3A_208 = arith.constant 7 : i32
      %scan3A_209 = arith.addi %scan3A_111, %scan3A_208 : i32
      %mul3A_210 = arith.constant 1 : i32
      %mul3A_211 = arith.muli %scan3A_209, %mul3A_210 : i32
      %add3A_212 = arith.constant 0 : i32
      %add3A_213 = arith.addi %add3A_212, %mul3A_211 : i32
      %mul3A_214 = arith.constant 128 : i32
      %mul3A_215 = arith.muli %add3A_213, %mul3A_214 : i32
      %add3A_216 = arith.constant 16 : i32
      %add3A_217 = arith.addi %mul3A_215, %add3A_216 : i32
      %get3A_218 = arith.index_cast %add3A_217 : i32 to index
      %get3A_219 = tpu.vector_load %arg6[%get3A_218] {strides = array<i32>} : memref<25600xf32, #tpu.memory_space<vmem>>, vector<16xf32>,
      %get3A_220 = vector.shape_cast %get3A_219 : vector<16xf32> to vector<16xf32>
      %add3A_221 = arith.addf %add3A_207, %get3A_220 : vector<16xf32>
      scf.yield %add3A_221 : vector<16xf32>
    }
    %scan3A_34 = arith.constant 200 : i32
    %swap3A_35 = arith.constant 16 : index
    %swap3A_36 = tpu.vector_load %arg7[%swap3A_35] {strides = array<i32>} : memref<128xf32, #tpu.memory_space<vmem>>, vector<16xf32>,
    %swap3A_37 = vector.shape_cast %swap3A_36 : vector<16xf32> to vector<16xf32>
    %swap3A_38 = vector.shape_cast %scan3A_33 : vector<16xf32> to vector<16xf32>
    tpu.vector_store %arg7[%swap3A_35], %swap3A_38 {strides = array<i32>} : memref<128xf32, #tpu.memory_space<vmem>>, vector<16xf32>,
    %broadcast_in_dim3A_39 = arith.constant 0.000000e+00 : f32
    %broadcast_in_dim3A_40 = vector.broadcast %broadcast_in_dim3A_39 : f32 to vector<16xf32>
    %scan3A_41 = arith.constant 0 : i32
    %scan3A_42 = arith.constant 200 : i32
    %scan3A_43 = arith.addi %scan3A_41, %scan3A_42 : i32
    %scan3A_44 = arith.constant 8 : i32
    %scan3A_45 = scf.for %scan3A_111 = %scan3A_41 to %scan3A_43 step %scan3A_44 iter_args(%scan3A_112 = %broadcast_in_dim3A_40) -> (vector<16xf32>)  : i32 {
      %mul3A_113 = arith.constant 1 : i32
      %mul3A_114 = arith.muli %scan3A_111, %mul3A_113 : i32
      %add3A_115 = arith.constant 0 : i32
      %add3A_116 = arith.addi %add3A_115, %mul3A_114 : i32
      %mul3A_117 = arith.constant 128 : i32
      %mul3A_118 = arith.muli %add3A_116, %mul3A_117 : i32
      %add3A_119 = arith.constant 32 : i32
      %add3A_120 = arith.addi %mul3A_118, %add3A_119 : i32
      %get3A = arith.index_cast %add3A_120 : i32 to index
      %get3A_121 = tpu.vector_load %arg6[%get3A] {strides = array<i32>} : memref<25600xf32, #tpu.memory_space<vmem>>, vector<16xf32>,
      %get3A_122 = vector.shape_cast %get3A_121 : vector<16xf32> to vector<16xf32>
      %add3A_123 = arith.addf %scan3A_112, %get3A_122 : vector<16xf32>
      %scan3A_124 = arith.constant 1 : i32
      %scan3A_125 = arith.addi %scan3A_111, %scan3A_124 : i32
      %mul3A_126 = arith.constant 1 : i32
      %mul3A_127 = arith.muli %scan3A_125, %mul3A_126 : i32
      %add3A_128 = arith.constant 0 : i32
      %add3A_129 = arith.addi %add3A_128, %mul3A_127 : i32
      %mul3A_130 = arith.constant 128 : i32
      %mul3A_131 = arith.muli %add3A_129, %mul3A_130 : i32
      %add3A_132 = arith.constant 32 : i32
      %add3A_133 = arith.addi %mul3A_131, %add3A_132 : i32
      %get3A_134 = arith.index_cast %add3A_133 : i32 to index
      %get3A_135 = tpu.vector_load %arg6[%get3A_134] {strides = array<i32>} : memref<25600xf32, #tpu.memory_space<vmem>>, vector<16xf32>,
      %get3A_136 = vector.shape_cast %get3A_135 : vector<16xf32> to vector<16xf32>
      %add3A_137 = arith.addf %add3A_123, %get3A_136 : vector<16xf32>
      %scan3A_138 = arith.constant 2 : i32
      %scan3A_139 = arith.addi %scan3A_111, %scan3A_138 : i32
      %mul3A_140 = arith.constant 1 : i32
      %mul3A_141 = arith.muli %scan3A_139, %mul3A_140 : i32
      %add3A_142 = arith.constant 0 : i32
      %add3A_143 = arith.addi %add3A_142, %mul3A_141 : i32
      %mul3A_144 = arith.constant 128 : i32
      %mul3A_145 = arith.muli %add3A_143, %mul3A_144 : i32
      %add3A_146 = arith.constant 32 : i32
      %add3A_147 = arith.addi %mul3A_145, %add3A_146 : i32
      %get3A_148 = arith.index_cast %add3A_147 : i32 to index
      %get3A_149 = tpu.vector_load %arg6[%get3A_148] {strides = array<i32>} : memref<25600xf32, #tpu.memory_space<vmem>>, vector<16xf32>,
      %get3A_150 = vector.shape_cast %get3A_149 : vector<16xf32> to vector<16xf32>
      %add3A_151 = arith.addf %add3A_137, %get3A_150 : vector<16xf32>
      %scan3A_152 = arith.constant 3 : i32
      %scan3A_153 = arith.addi %scan3A_111, %scan3A_152 : i32
      %mul3A_154 = arith.constant 1 : i32
      %mul3A_155 = arith.muli %scan3A_153, %mul3A_154 : i32
      %add3A_156 = arith.constant 0 : i32
      %add3A_157 = arith.addi %add3A_156, %mul3A_155 : i32
      %mul3A_158 = arith.constant 128 : i32
      %mul3A_159 = arith.muli %add3A_157, %mul3A_158 : i32
      %add3A_160 = arith.constant 32 : i32
      %add3A_161 = arith.addi %mul3A_159, %add3A_160 : i32
      %get3A_162 = arith.index_cast %add3A_161 : i32 to index
      %get3A_163 = tpu.vector_load %arg6[%get3A_162] {strides = array<i32>} : memref<25600xf32, #tpu.memory_space<vmem>>, vector<16xf32>,
      %get3A_164 = vector.shape_cast %get3A_163 : vector<16xf32> to vector<16xf32>
      %add3A_165 = arith.addf %add3A_151, %get3A_164 : vector<16xf32>
      %scan3A_166 = arith.constant 4 : i32
      %scan3A_167 = arith.addi %scan3A_111, %scan3A_166 : i32
      %mul3A_168 = arith.constant 1 : i32
      %mul3A_169 = arith.muli %scan3A_167, %mul3A_168 : i32
      %add3A_170 = arith.constant 0 : i32
      %add3A_171 = arith.addi %add3A_170, %mul3A_169 : i32
      %mul3A_172 = arith.constant 128 : i32
      %mul3A_173 = arith.muli %add3A_171, %mul3A_172 : i32
      %add3A_174 = arith.constant 32 : i32
      %add3A_175 = arith.addi %mul3A_173, %add3A_174 : i32
      %get3A_176 = arith.index_cast %add3A_175 : i32 to index
      %get3A_177 = tpu.vector_load %arg6[%get3A_176] {strides = array<i32>} : memref<25600xf32, #tpu.memory_space<vmem>>, vector<16xf32>,
      %get3A_178 = vector.shape_cast %get3A_177 : vector<16xf32> to vector<16xf32>
      %add3A_179 = arith.addf %add3A_165, %get3A_178 : vector<16xf32>
      %scan3A_180 = arith.constant 5 : i32
      %scan3A_181 = arith.addi %scan3A_111, %scan3A_180 : i32
      %mul3A_182 = arith.constant 1 : i32
      %mul3A_183 = arith.muli %scan3A_181, %mul3A_182 : i32
      %add3A_184 = arith.constant 0 : i32
      %add3A_185 = arith.addi %add3A_184, %mul3A_183 : i32
      %mul3A_186 = arith.constant 128 : i32
      %mul3A_187 = arith.muli %add3A_185, %mul3A_186 : i32
      %add3A_188 = arith.constant 32 : i32
      %add3A_189 = arith.addi %mul3A_187, %add3A_188 : i32
      %get3A_190 = arith.index_cast %add3A_189 : i32 to index
      %get3A_191 = tpu.vector_load %arg6[%get3A_190] {strides = array<i32>} : memref<25600xf32, #tpu.memory_space<vmem>>, vector<16xf32>,
      %get3A_192 = vector.shape_cast %get3A_191 : vector<16xf32> to vector<16xf32>
      %add3A_193 = arith.addf %add3A_179, %get3A_192 : vector<16xf32>
      %scan3A_194 = arith.constant 6 : i32
      %scan3A_195 = arith.addi %scan3A_111, %scan3A_194 : i32
      %mul3A_196 = arith.constant 1 : i32
      %mul3A_197 = arith.muli %scan3A_195, %mul3A_196 : i32
      %add3A_198 = arith.constant 0 : i32
      %add3A_199 = arith.addi %add3A_198, %mul3A_197 : i32
      %mul3A_200 = arith.constant 128 : i32
      %mul3A_201 = arith.muli %add3A_199, %mul3A_200 : i32
      %add3A_202 = arith.constant 32 : i32
      %add3A_203 = arith.addi %mul3A_201, %add3A_202 : i32
      %get3A_204 = arith.index_cast %add3A_203 : i32 to index
      %get3A_205 = tpu.vector_load %arg6[%get3A_204] {strides = array<i32>} : memref<25600xf32, #tpu.memory_space<vmem>>, vector<16xf32>,
      %get3A_206 = vector.shape_cast %get3A_205 : vector<16xf32> to vector<16xf32>
      %add3A_207 = arith.addf %add3A_193, %get3A_206 : vector<16xf32>
      %scan3A_208 = arith.constant 7 : i32
      %scan3A_209 = arith.addi %scan3A_111, %scan3A_208 : i32
      %mul3A_210 = arith.constant 1 : i32
      %mul3A_211 = arith.muli %scan3A_209, %mul3A_210 : i32
      %add3A_212 = arith.constant 0 : i32
      %add3A_213 = arith.addi %add3A_212, %mul3A_211 : i32
      %mul3A_214 = arith.constant 128 : i32
      %mul3A_215 = arith.muli %add3A_213, %mul3A_214 : i32
      %add3A_216 = arith.constant 32 : i32
      %add3A_217 = arith.addi %mul3A_215, %add3A_216 : i32
      %get3A_218 = arith.index_cast %add3A_217 : i32 to index
      %get3A_219 = tpu.vector_load %arg6[%get3A_218] {strides = array<i32>} : memref<25600xf32, #tpu.memory_space<vmem>>, vector<16xf32>,
      %get3A_220 = vector.shape_cast %get3A_219 : vector<16xf32> to vector<16xf32>
      %add3A_221 = arith.addf %add3A_207, %get3A_220 : vector<16xf32>
      scf.yield %add3A_221 : vector<16xf32>
    }
    %scan3A_46 = arith.constant 200 : i32
    %swap3A_47 = arith.constant 32 : index
    %swap3A_48 = tpu.vector_load %arg7[%swap3A_47] {strides = array<i32>} : memref<128xf32, #tpu.memory_space<vmem>>, vector<16xf32>,
    %swap3A_49 = vector.shape_cast %swap3A_48 : vector<16xf32> to vector<16xf32>
    %swap3A_50 = vector.shape_cast %scan3A_45 : vector<16xf32> to vector<16xf32>
    tpu.vector_store %arg7[%swap3A_47], %swap3A_50 {strides = array<i32>} : memref<128xf32, #tpu.memory_space<vmem>>, vector<16xf32>,
    %broadcast_in_dim3A_51 = arith.constant 0.000000e+00 : f32
    %broadcast_in_dim3A_52 = vector.broadcast %broadcast_in_dim3A_51 : f32 to vector<16xf32>
    %scan3A_53 = arith.constant 0 : i32
    %scan3A_54 = arith.constant 200 : i32
    %scan3A_55 = arith.addi %scan3A_53, %scan3A_54 : i32
    %scan3A_56 = arith.constant 8 : i32
    %scan3A_57 = scf.for %scan3A_111 = %scan3A_53 to %scan3A_55 step %scan3A_56 iter_args(%scan3A_112 = %broadcast_in_dim3A_52) -> (vector<16xf32>)  : i32 {
      %mul3A_113 = arith.constant 1 : i32
      %mul3A_114 = arith.muli %scan3A_111, %mul3A_113 : i32
      %add3A_115 = arith.constant 0 : i32
      %add3A_116 = arith.addi %add3A_115, %mul3A_114 : i32
      %mul3A_117 = arith.constant 128 : i32
      %mul3A_118 = arith.muli %add3A_116, %mul3A_117 : i32
      %add3A_119 = arith.constant 48 : i32
      %add3A_120 = arith.addi %mul3A_118, %add3A_119 : i32
      %get3A = arith.index_cast %add3A_120 : i32 to index
      %get3A_121 = tpu.vector_load %arg6[%get3A] {strides = array<i32>} : memref<25600xf32, #tpu.memory_space<vmem>>, vector<16xf32>,
      %get3A_122 = vector.shape_cast %get3A_121 : vector<16xf32> to vector<16xf32>
      %add3A_123 = arith.addf %scan3A_112, %get3A_122 : vector<16xf32>
      %scan3A_124 = arith.constant 1 : i32
      %scan3A_125 = arith.addi %scan3A_111, %scan3A_124 : i32
      %mul3A_126 = arith.constant 1 : i32
      %mul3A_127 = arith.muli %scan3A_125, %mul3A_126 : i32
      %add3A_128 = arith.constant 0 : i32
      %add3A_129 = arith.addi %add3A_128, %mul3A_127 : i32
      %mul3A_130 = arith.constant 128 : i32
      %mul3A_131 = arith.muli %add3A_129, %mul3A_130 : i32
      %add3A_132 = arith.constant 48 : i32
      %add3A_133 = arith.addi %mul3A_131, %add3A_132 : i32
      %get3A_134 = arith.index_cast %add3A_133 : i32 to index
      %get3A_135 = tpu.vector_load %arg6[%get3A_134] {strides = array<i32>} : memref<25600xf32, #tpu.memory_space<vmem>>, vector<16xf32>,
      %get3A_136 = vector.shape_cast %get3A_135 : vector<16xf32> to vector<16xf32>
      %add3A_137 = arith.addf %add3A_123, %get3A_136 : vector<16xf32>
      %scan3A_138 = arith.constant 2 : i32
      %scan3A_139 = arith.addi %scan3A_111, %scan3A_138 : i32
      %mul3A_140 = arith.constant 1 : i32
      %mul3A_141 = arith.muli %scan3A_139, %mul3A_140 : i32
      %add3A_142 = arith.constant 0 : i32
      %add3A_143 = arith.addi %add3A_142, %mul3A_141 : i32
      %mul3A_144 = arith.constant 128 : i32
      %mul3A_145 = arith.muli %add3A_143, %mul3A_144 : i32
      %add3A_146 = arith.constant 48 : i32
      %add3A_147 = arith.addi %mul3A_145, %add3A_146 : i32
      %get3A_148 = arith.index_cast %add3A_147 : i32 to index
      %get3A_149 = tpu.vector_load %arg6[%get3A_148] {strides = array<i32>} : memref<25600xf32, #tpu.memory_space<vmem>>, vector<16xf32>,
      %get3A_150 = vector.shape_cast %get3A_149 : vector<16xf32> to vector<16xf32>
      %add3A_151 = arith.addf %add3A_137, %get3A_150 : vector<16xf32>
      %scan3A_152 = arith.constant 3 : i32
      %scan3A_153 = arith.addi %scan3A_111, %scan3A_152 : i32
      %mul3A_154 = arith.constant 1 : i32
      %mul3A_155 = arith.muli %scan3A_153, %mul3A_154 : i32
      %add3A_156 = arith.constant 0 : i32
      %add3A_157 = arith.addi %add3A_156, %mul3A_155 : i32
      %mul3A_158 = arith.constant 128 : i32
      %mul3A_159 = arith.muli %add3A_157, %mul3A_158 : i32
      %add3A_160 = arith.constant 48 : i32
      %add3A_161 = arith.addi %mul3A_159, %add3A_160 : i32
      %get3A_162 = arith.index_cast %add3A_161 : i32 to index
      %get3A_163 = tpu.vector_load %arg6[%get3A_162] {strides = array<i32>} : memref<25600xf32, #tpu.memory_space<vmem>>, vector<16xf32>,
      %get3A_164 = vector.shape_cast %get3A_163 : vector<16xf32> to vector<16xf32>
      %add3A_165 = arith.addf %add3A_151, %get3A_164 : vector<16xf32>
      %scan3A_166 = arith.constant 4 : i32
      %scan3A_167 = arith.addi %scan3A_111, %scan3A_166 : i32
      %mul3A_168 = arith.constant 1 : i32
      %mul3A_169 = arith.muli %scan3A_167, %mul3A_168 : i32
      %add3A_170 = arith.constant 0 : i32
      %add3A_171 = arith.addi %add3A_170, %mul3A_169 : i32
      %mul3A_172 = arith.constant 128 : i32
      %mul3A_173 = arith.muli %add3A_171, %mul3A_172 : i32
      %add3A_174 = arith.constant 48 : i32
      %add3A_175 = arith.addi %mul3A_173, %add3A_174 : i32
      %get3A_176 = arith.index_cast %add3A_175 : i32 to index
      %get3A_177 = tpu.vector_load %arg6[%get3A_176] {strides = array<i32>} : memref<25600xf32, #tpu.memory_space<vmem>>, vector<16xf32>,
      %get3A_178 = vector.shape_cast %get3A_177 : vector<16xf32> to vector<16xf32>
      %add3A_179 = arith.addf %add3A_165, %get3A_178 : vector<16xf32>
      %scan3A_180 = arith.constant 5 : i32
      %scan3A_181 = arith.addi %scan3A_111, %scan3A_180 : i32
      %mul3A_182 = arith.constant 1 : i32
      %mul3A_183 = arith.muli %scan3A_181, %mul3A_182 : i32
      %add3A_184 = arith.constant 0 : i32
      %add3A_185 = arith.addi %add3A_184, %mul3A_183 : i32
      %mul3A_186 = arith.constant 128 : i32
      %mul3A_187 = arith.muli %add3A_185, %mul3A_186 : i32
      %add3A_188 = arith.constant 48 : i32
      %add3A_189 = arith.addi %mul3A_187, %add3A_188 : i32
      %get3A_190 = arith.index_cast %add3A_189 : i32 to index
      %get3A_191 = tpu.vector_load %arg6[%get3A_190] {strides = array<i32>} : memref<25600xf32, #tpu.memory_space<vmem>>, vector<16xf32>,
      %get3A_192 = vector.shape_cast %get3A_191 : vector<16xf32> to vector<16xf32>
      %add3A_193 = arith.addf %add3A_179, %get3A_192 : vector<16xf32>
      %scan3A_194 = arith.constant 6 : i32
      %scan3A_195 = arith.addi %scan3A_111, %scan3A_194 : i32
      %mul3A_196 = arith.constant 1 : i32
      %mul3A_197 = arith.muli %scan3A_195, %mul3A_196 : i32
      %add3A_198 = arith.constant 0 : i32
      %add3A_199 = arith.addi %add3A_198, %mul3A_197 : i32
      %mul3A_200 = arith.constant 128 : i32
      %mul3A_201 = arith.muli %add3A_199, %mul3A_200 : i32
      %add3A_202 = arith.constant 48 : i32
      %add3A_203 = arith.addi %mul3A_201, %add3A_202 : i32
      %get3A_204 = arith.index_cast %add3A_203 : i32 to index
      %get3A_205 = tpu.vector_load %arg6[%get3A_204] {strides = array<i32>} : memref<25600xf32, #tpu.memory_space<vmem>>, vector<16xf32>,
      %get3A_206 = vector.shape_cast %get3A_205 : vector<16xf32> to vector<16xf32>
      %add3A_207 = arith.addf %add3A_193, %get3A_206 : vector<16xf32>
      %scan3A_208 = arith.constant 7 : i32
      %scan3A_209 = arith.addi %scan3A_111, %scan3A_208 : i32
      %mul3A_210 = arith.constant 1 : i32
      %mul3A_211 = arith.muli %scan3A_209, %mul3A_210 : i32
      %add3A_212 = arith.constant 0 : i32
      %add3A_213 = arith.addi %add3A_212, %mul3A_211 : i32
      %mul3A_214 = arith.constant 128 : i32
      %mul3A_215 = arith.muli %add3A_213, %mul3A_214 : i32
      %add3A_216 = arith.constant 48 : i32
      %add3A_217 = arith.addi %mul3A_215, %add3A_216 : i32
      %get3A_218 = arith.index_cast %add3A_217 : i32 to index
      %get3A_219 = tpu.vector_load %arg6[%get3A_218] {strides = array<i32>} : memref<25600xf32, #tpu.memory_space<vmem>>, vector<16xf32>,
      %get3A_220 = vector.shape_cast %get3A_219 : vector<16xf32> to vector<16xf32>
      %add3A_221 = arith.addf %add3A_207, %get3A_220 : vector<16xf32>
      scf.yield %add3A_221 : vector<16xf32>
    }
    %scan3A_58 = arith.constant 200 : i32
    %swap3A_59 = arith.constant 48 : index
    %swap3A_60 = tpu.vector_load %arg7[%swap3A_59] {strides = array<i32>} : memref<128xf32, #tpu.memory_space<vmem>>, vector<16xf32>,
    %swap3A_61 = vector.shape_cast %swap3A_60 : vector<16xf32> to vector<16xf32>
    %swap3A_62 = vector.shape_cast %scan3A_57 : vector<16xf32> to vector<16xf32>
    tpu.vector_store %arg7[%swap3A_59], %swap3A_62 {strides = array<i32>} : memref<128xf32, #tpu.memory_space<vmem>>, vector<16xf32>,
    %broadcast_in_dim3A_63 = arith.constant 0.000000e+00 : f32
    %broadcast_in_dim3A_64 = vector.broadcast %broadcast_in_dim3A_63 : f32 to vector<16xf32>
    %scan3A_65 = arith.constant 0 : i32
    %scan3A_66 = arith.constant 200 : i32
    %scan3A_67 = arith.addi %scan3A_65, %scan3A_66 : i32
    %scan3A_68 = arith.constant 8 : i32
    %scan3A_69 = scf.for %scan3A_111 = %scan3A_65 to %scan3A_67 step %scan3A_68 iter_args(%scan3A_112 = %broadcast_in_dim3A_64) -> (vector<16xf32>)  : i32 {
      %mul3A_113 = arith.constant 1 : i32
      %mul3A_114 = arith.muli %scan3A_111, %mul3A_113 : i32
      %add3A_115 = arith.constant 0 : i32
      %add3A_116 = arith.addi %add3A_115, %mul3A_114 : i32
      %mul3A_117 = arith.constant 128 : i32
      %mul3A_118 = arith.muli %add3A_116, %mul3A_117 : i32
      %add3A_119 = arith.constant 64 : i32
      %add3A_120 = arith.addi %mul3A_118, %add3A_119 : i32
      %get3A = arith.index_cast %add3A_120 : i32 to index
      %get3A_121 = tpu.vector_load %arg6[%get3A] {strides = array<i32>} : memref<25600xf32, #tpu.memory_space<vmem>>, vector<16xf32>,
      %get3A_122 = vector.shape_cast %get3A_121 : vector<16xf32> to vector<16xf32>
      %add3A_123 = arith.addf %scan3A_112, %get3A_122 : vector<16xf32>
      %scan3A_124 = arith.constant 1 : i32
      %scan3A_125 = arith.addi %scan3A_111, %scan3A_124 : i32
      %mul3A_126 = arith.constant 1 : i32
      %mul3A_127 = arith.muli %scan3A_125, %mul3A_126 : i32
      %add3A_128 = arith.constant 0 : i32
      %add3A_129 = arith.addi %add3A_128, %mul3A_127 : i32
      %mul3A_130 = arith.constant 128 : i32
      %mul3A_131 = arith.muli %add3A_129, %mul3A_130 : i32
      %add3A_132 = arith.constant 64 : i32
      %add3A_133 = arith.addi %mul3A_131, %add3A_132 : i32
      %get3A_134 = arith.index_cast %add3A_133 : i32 to index
      %get3A_135 = tpu.vector_load %arg6[%get3A_134] {strides = array<i32>} : memref<25600xf32, #tpu.memory_space<vmem>>, vector<16xf32>,
      %get3A_136 = vector.shape_cast %get3A_135 : vector<16xf32> to vector<16xf32>
      %add3A_137 = arith.addf %add3A_123, %get3A_136 : vector<16xf32>
      %scan3A_138 = arith.constant 2 : i32
      %scan3A_139 = arith.addi %scan3A_111, %scan3A_138 : i32
      %mul3A_140 = arith.constant 1 : i32
      %mul3A_141 = arith.muli %scan3A_139, %mul3A_140 : i32
      %add3A_142 = arith.constant 0 : i32
      %add3A_143 = arith.addi %add3A_142, %mul3A_141 : i32
      %mul3A_144 = arith.constant 128 : i32
      %mul3A_145 = arith.muli %add3A_143, %mul3A_144 : i32
      %add3A_146 = arith.constant 64 : i32
      %add3A_147 = arith.addi %mul3A_145, %add3A_146 : i32
      %get3A_148 = arith.index_cast %add3A_147 : i32 to index
      %get3A_149 = tpu.vector_load %arg6[%get3A_148] {strides = array<i32>} : memref<25600xf32, #tpu.memory_space<vmem>>, vector<16xf32>,
      %get3A_150 = vector.shape_cast %get3A_149 : vector<16xf32> to vector<16xf32>
      %add3A_151 = arith.addf %add3A_137, %get3A_150 : vector<16xf32>
      %scan3A_152 = arith.constant 3 : i32
      %scan3A_153 = arith.addi %scan3A_111, %scan3A_152 : i32
      %mul3A_154 = arith.constant 1 : i32
      %mul3A_155 = arith.muli %scan3A_153, %mul3A_154 : i32
      %add3A_156 = arith.constant 0 : i32
      %add3A_157 = arith.addi %add3A_156, %mul3A_155 : i32
      %mul3A_158 = arith.constant 128 : i32
      %mul3A_159 = arith.muli %add3A_157, %mul3A_158 : i32
      %add3A_160 = arith.constant 64 : i32
      %add3A_161 = arith.addi %mul3A_159, %add3A_160 : i32
      %get3A_162 = arith.index_cast %add3A_161 : i32 to index
      %get3A_163 = tpu.vector_load %arg6[%get3A_162] {strides = array<i32>} : memref<25600xf32, #tpu.memory_space<vmem>>, vector<16xf32>,
      %get3A_164 = vector.shape_cast %get3A_163 : vector<16xf32> to vector<16xf32>
      %add3A_165 = arith.addf %add3A_151, %get3A_164 : vector<16xf32>
      %scan3A_166 = arith.constant 4 : i32
      %scan3A_167 = arith.addi %scan3A_111, %scan3A_166 : i32
      %mul3A_168 = arith.constant 1 : i32
      %mul3A_169 = arith.muli %scan3A_167, %mul3A_168 : i32
      %add3A_170 = arith.constant 0 : i32
      %add3A_171 = arith.addi %add3A_170, %mul3A_169 : i32
      %mul3A_172 = arith.constant 128 : i32
      %mul3A_173 = arith.muli %add3A_171, %mul3A_172 : i32
      %add3A_174 = arith.constant 64 : i32
      %add3A_175 = arith.addi %mul3A_173, %add3A_174 : i32
      %get3A_176 = arith.index_cast %add3A_175 : i32 to index
      %get3A_177 = tpu.vector_load %arg6[%get3A_176] {strides = array<i32>} : memref<25600xf32, #tpu.memory_space<vmem>>, vector<16xf32>,
      %get3A_178 = vector.shape_cast %get3A_177 : vector<16xf32> to vector<16xf32>
      %add3A_179 = arith.addf %add3A_165, %get3A_178 : vector<16xf32>
      %scan3A_180 = arith.constant 5 : i32
      %scan3A_181 = arith.addi %scan3A_111, %scan3A_180 : i32
      %mul3A_182 = arith.constant 1 : i32
      %mul3A_183 = arith.muli %scan3A_181, %mul3A_182 : i32
      %add3A_184 = arith.constant 0 : i32
      %add3A_185 = arith.addi %add3A_184, %mul3A_183 : i32
      %mul3A_186 = arith.constant 128 : i32
      %mul3A_187 = arith.muli %add3A_185, %mul3A_186 : i32
      %add3A_188 = arith.constant 64 : i32
      %add3A_189 = arith.addi %mul3A_187, %add3A_188 : i32
      %get3A_190 = arith.index_cast %add3A_189 : i32 to index
      %get3A_191 = tpu.vector_load %arg6[%get3A_190] {strides = array<i32>} : memref<25600xf32, #tpu.memory_space<vmem>>, vector<16xf32>,
      %get3A_192 = vector.shape_cast %get3A_191 : vector<16xf32> to vector<16xf32>
      %add3A_193 = arith.addf %add3A_179, %get3A_192 : vector<16xf32>
      %scan3A_194 = arith.constant 6 : i32
      %scan3A_195 = arith.addi %scan3A_111, %scan3A_194 : i32
      %mul3A_196 = arith.constant 1 : i32
      %mul3A_197 = arith.muli %scan3A_195, %mul3A_196 : i32
      %add3A_198 = arith.constant 0 : i32
      %add3A_199 = arith.addi %add3A_198, %mul3A_197 : i32
      %mul3A_200 = arith.constant 128 : i32
      %mul3A_201 = arith.muli %add3A_199, %mul3A_200 : i32
      %add3A_202 = arith.constant 64 : i32
      %add3A_203 = arith.addi %mul3A_201, %add3A_202 : i32
      %get3A_204 = arith.index_cast %add3A_203 : i32 to index
      %get3A_205 = tpu.vector_load %arg6[%get3A_204] {strides = array<i32>} : memref<25600xf32, #tpu.memory_space<vmem>>, vector<16xf32>,
      %get3A_206 = vector.shape_cast %get3A_205 : vector<16xf32> to vector<16xf32>
      %add3A_207 = arith.addf %add3A_193, %get3A_206 : vector<16xf32>
      %scan3A_208 = arith.constant 7 : i32
      %scan3A_209 = arith.addi %scan3A_111, %scan3A_208 : i32
      %mul3A_210 = arith.constant 1 : i32
      %mul3A_211 = arith.muli %scan3A_209, %mul3A_210 : i32
      %add3A_212 = arith.constant 0 : i32
      %add3A_213 = arith.addi %add3A_212, %mul3A_211 : i32
      %mul3A_214 = arith.constant 128 : i32
      %mul3A_215 = arith.muli %add3A_213, %mul3A_214 : i32
      %add3A_216 = arith.constant 64 : i32
      %add3A_217 = arith.addi %mul3A_215, %add3A_216 : i32
      %get3A_218 = arith.index_cast %add3A_217 : i32 to index
      %get3A_219 = tpu.vector_load %arg6[%get3A_218] {strides = array<i32>} : memref<25600xf32, #tpu.memory_space<vmem>>, vector<16xf32>,
      %get3A_220 = vector.shape_cast %get3A_219 : vector<16xf32> to vector<16xf32>
      %add3A_221 = arith.addf %add3A_207, %get3A_220 : vector<16xf32>
      scf.yield %add3A_221 : vector<16xf32>
    }
    %scan3A_70 = arith.constant 200 : i32
    %swap3A_71 = arith.constant 64 : index
    %swap3A_72 = tpu.vector_load %arg7[%swap3A_71] {strides = array<i32>} : memref<128xf32, #tpu.memory_space<vmem>>, vector<16xf32>,
    %swap3A_73 = vector.shape_cast %swap3A_72 : vector<16xf32> to vector<16xf32>
    %swap3A_74 = vector.shape_cast %scan3A_69 : vector<16xf32> to vector<16xf32>
    tpu.vector_store %arg7[%swap3A_71], %swap3A_74 {strides = array<i32>} : memref<128xf32, #tpu.memory_space<vmem>>, vector<16xf32>,
    %broadcast_in_dim3A_75 = arith.constant 0.000000e+00 : f32
    %broadcast_in_dim3A_76 = vector.broadcast %broadcast_in_dim3A_75 : f32 to vector<16xf32>
    %scan3A_77 = arith.constant 0 : i32
    %scan3A_78 = arith.constant 200 : i32
    %scan3A_79 = arith.addi %scan3A_77, %scan3A_78 : i32
    %scan3A_80 = arith.constant 8 : i32
    %scan3A_81 = scf.for %scan3A_111 = %scan3A_77 to %scan3A_79 step %scan3A_80 iter_args(%scan3A_112 = %broadcast_in_dim3A_76) -> (vector<16xf32>)  : i32 {
      %mul3A_113 = arith.constant 1 : i32
      %mul3A_114 = arith.muli %scan3A_111, %mul3A_113 : i32
      %add3A_115 = arith.constant 0 : i32
      %add3A_116 = arith.addi %add3A_115, %mul3A_114 : i32
      %mul3A_117 = arith.constant 128 : i32
      %mul3A_118 = arith.muli %add3A_116, %mul3A_117 : i32
      %add3A_119 = arith.constant 80 : i32
      %add3A_120 = arith.addi %mul3A_118, %add3A_119 : i32
      %get3A = arith.index_cast %add3A_120 : i32 to index
      %get3A_121 = tpu.vector_load %arg6[%get3A] {strides = array<i32>} : memref<25600xf32, #tpu.memory_space<vmem>>, vector<16xf32>,
      %get3A_122 = vector.shape_cast %get3A_121 : vector<16xf32> to vector<16xf32>
      %add3A_123 = arith.addf %scan3A_112, %get3A_122 : vector<16xf32>
      %scan3A_124 = arith.constant 1 : i32
      %scan3A_125 = arith.addi %scan3A_111, %scan3A_124 : i32
      %mul3A_126 = arith.constant 1 : i32
      %mul3A_127 = arith.muli %scan3A_125, %mul3A_126 : i32
      %add3A_128 = arith.constant 0 : i32
      %add3A_129 = arith.addi %add3A_128, %mul3A_127 : i32
      %mul3A_130 = arith.constant 128 : i32
      %mul3A_131 = arith.muli %add3A_129, %mul3A_130 : i32
      %add3A_132 = arith.constant 80 : i32
      %add3A_133 = arith.addi %mul3A_131, %add3A_132 : i32
      %get3A_134 = arith.index_cast %add3A_133 : i32 to index
      %get3A_135 = tpu.vector_load %arg6[%get3A_134] {strides = array<i32>} : memref<25600xf32, #tpu.memory_space<vmem>>, vector<16xf32>,
      %get3A_136 = vector.shape_cast %get3A_135 : vector<16xf32> to vector<16xf32>
      %add3A_137 = arith.addf %add3A_123, %get3A_136 : vector<16xf32>
      %scan3A_138 = arith.constant 2 : i32
      %scan3A_139 = arith.addi %scan3A_111, %scan3A_138 : i32
      %mul3A_140 = arith.constant 1 : i32
      %mul3A_141 = arith.muli %scan3A_139, %mul3A_140 : i32
      %add3A_142 = arith.constant 0 : i32
      %add3A_143 = arith.addi %add3A_142, %mul3A_141 : i32
      %mul3A_144 = arith.constant 128 : i32
      %mul3A_145 = arith.muli %add3A_143, %mul3A_144 : i32
      %add3A_146 = arith.constant 80 : i32
      %add3A_147 = arith.addi %mul3A_145, %add3A_146 : i32
      %get3A_148 = arith.index_cast %add3A_147 : i32 to index
      %get3A_149 = tpu.vector_load %arg6[%get3A_148] {strides = array<i32>} : memref<25600xf32, #tpu.memory_space<vmem>>, vector<16xf32>,
      %get3A_150 = vector.shape_cast %get3A_149 : vector<16xf32> to vector<16xf32>
      %add3A_151 = arith.addf %add3A_137, %get3A_150 : vector<16xf32>
      %scan3A_152 = arith.constant 3 : i32
      %scan3A_153 = arith.addi %scan3A_111, %scan3A_152 : i32
      %mul3A_154 = arith.constant 1 : i32
      %mul3A_155 = arith.muli %scan3A_153, %mul3A_154 : i32
      %add3A_156 = arith.constant 0 : i32
      %add3A_157 = arith.addi %add3A_156, %mul3A_155 : i32
      %mul3A_158 = arith.constant 128 : i32
      %mul3A_159 = arith.muli %add3A_157, %mul3A_158 : i32
      %add3A_160 = arith.constant 80 : i32
      %add3A_161 = arith.addi %mul3A_159, %add3A_160 : i32
      %get3A_162 = arith.index_cast %add3A_161 : i32 to index
      %get3A_163 = tpu.vector_load %arg6[%get3A_162] {strides = array<i32>} : memref<25600xf32, #tpu.memory_space<vmem>>, vector<16xf32>,
      %get3A_164 = vector.shape_cast %get3A_163 : vector<16xf32> to vector<16xf32>
      %add3A_165 = arith.addf %add3A_151, %get3A_164 : vector<16xf32>
      %scan3A_166 = arith.constant 4 : i32
      %scan3A_167 = arith.addi %scan3A_111, %scan3A_166 : i32
      %mul3A_168 = arith.constant 1 : i32
      %mul3A_169 = arith.muli %scan3A_167, %mul3A_168 : i32
      %add3A_170 = arith.constant 0 : i32
      %add3A_171 = arith.addi %add3A_170, %mul3A_169 : i32
      %mul3A_172 = arith.constant 128 : i32
      %mul3A_173 = arith.muli %add3A_171, %mul3A_172 : i32
      %add3A_174 = arith.constant 80 : i32
      %add3A_175 = arith.addi %mul3A_173, %add3A_174 : i32
      %get3A_176 = arith.index_cast %add3A_175 : i32 to index
      %get3A_177 = tpu.vector_load %arg6[%get3A_176] {strides = array<i32>} : memref<25600xf32, #tpu.memory_space<vmem>>, vector<16xf32>,
      %get3A_178 = vector.shape_cast %get3A_177 : vector<16xf32> to vector<16xf32>
      %add3A_179 = arith.addf %add3A_165, %get3A_178 : vector<16xf32>
      %scan3A_180 = arith.constant 5 : i32
      %scan3A_181 = arith.addi %scan3A_111, %scan3A_180 : i32
      %mul3A_182 = arith.constant 1 : i32
      %mul3A_183 = arith.muli %scan3A_181, %mul3A_182 : i32
      %add3A_184 = arith.constant 0 : i32
      %add3A_185 = arith.addi %add3A_184, %mul3A_183 : i32
      %mul3A_186 = arith.constant 128 : i32
      %mul3A_187 = arith.muli %add3A_185, %mul3A_186 : i32
      %add3A_188 = arith.constant 80 : i32
      %add3A_189 = arith.addi %mul3A_187, %add3A_188 : i32
      %get3A_190 = arith.index_cast %add3A_189 : i32 to index
      %get3A_191 = tpu.vector_load %arg6[%get3A_190] {strides = array<i32>} : memref<25600xf32, #tpu.memory_space<vmem>>, vector<16xf32>,
      %get3A_192 = vector.shape_cast %get3A_191 : vector<16xf32> to vector<16xf32>
      %add3A_193 = arith.addf %add3A_179, %get3A_192 : vector<16xf32>
      %scan3A_194 = arith.constant 6 : i32
      %scan3A_195 = arith.addi %scan3A_111, %scan3A_194 : i32
      %mul3A_196 = arith.constant 1 : i32
      %mul3A_197 = arith.muli %scan3A_195, %mul3A_196 : i32
      %add3A_198 = arith.constant 0 : i32
      %add3A_199 = arith.addi %add3A_198, %mul3A_197 : i32
      %mul3A_200 = arith.constant 128 : i32
      %mul3A_201 = arith.muli %add3A_199, %mul3A_200 : i32
      %add3A_202 = arith.constant 80 : i32
      %add3A_203 = arith.addi %mul3A_201, %add3A_202 : i32
      %get3A_204 = arith.index_cast %add3A_203 : i32 to index
      %get3A_205 = tpu.vector_load %arg6[%get3A_204] {strides = array<i32>} : memref<25600xf32, #tpu.memory_space<vmem>>, vector<16xf32>,
      %get3A_206 = vector.shape_cast %get3A_205 : vector<16xf32> to vector<16xf32>
      %add3A_207 = arith.addf %add3A_193, %get3A_206 : vector<16xf32>
      %scan3A_208 = arith.constant 7 : i32
      %scan3A_209 = arith.addi %scan3A_111, %scan3A_208 : i32
      %mul3A_210 = arith.constant 1 : i32
      %mul3A_211 = arith.muli %scan3A_209, %mul3A_210 : i32
      %add3A_212 = arith.constant 0 : i32
      %add3A_213 = arith.addi %add3A_212, %mul3A_211 : i32
      %mul3A_214 = arith.constant 128 : i32
      %mul3A_215 = arith.muli %add3A_213, %mul3A_214 : i32
      %add3A_216 = arith.constant 80 : i32
      %add3A_217 = arith.addi %mul3A_215, %add3A_216 : i32
      %get3A_218 = arith.index_cast %add3A_217 : i32 to index
      %get3A_219 = tpu.vector_load %arg6[%get3A_218] {strides = array<i32>} : memref<25600xf32, #tpu.memory_space<vmem>>, vector<16xf32>,
      %get3A_220 = vector.shape_cast %get3A_219 : vector<16xf32> to vector<16xf32>
      %add3A_221 = arith.addf %add3A_207, %get3A_220 : vector<16xf32>
      scf.yield %add3A_221 : vector<16xf32>
    }
    %scan3A_82 = arith.constant 200 : i32
    %swap3A_83 = arith.constant 80 : index
    %swap3A_84 = tpu.vector_load %arg7[%swap3A_83] {strides = array<i32>} : memref<128xf32, #tpu.memory_space<vmem>>, vector<16xf32>,
    %swap3A_85 = vector.shape_cast %swap3A_84 : vector<16xf32> to vector<16xf32>
    %swap3A_86 = vector.shape_cast %scan3A_81 : vector<16xf32> to vector<16xf32>
    tpu.vector_store %arg7[%swap3A_83], %swap3A_86 {strides = array<i32>} : memref<128xf32, #tpu.memory_space<vmem>>, vector<16xf32>,
    %broadcast_in_dim3A_87 = arith.constant 0.000000e+00 : f32
    %broadcast_in_dim3A_88 = vector.broadcast %broadcast_in_dim3A_87 : f32 to vector<16xf32>
    %scan3A_89 = arith.constant 0 : i32
    %scan3A_90 = arith.constant 200 : i32
    %scan3A_91 = arith.addi %scan3A_89, %scan3A_90 : i32
    %scan3A_92 = arith.constant 8 : i32
    %scan3A_93 = scf.for %scan3A_111 = %scan3A_89 to %scan3A_91 step %scan3A_92 iter_args(%scan3A_112 = %broadcast_in_dim3A_88) -> (vector<16xf32>)  : i32 {
      %mul3A_113 = arith.constant 1 : i32
      %mul3A_114 = arith.muli %scan3A_111, %mul3A_113 : i32
      %add3A_115 = arith.constant 0 : i32
      %add3A_116 = arith.addi %add3A_115, %mul3A_114 : i32
      %mul3A_117 = arith.constant 128 : i32
      %mul3A_118 = arith.muli %add3A_116, %mul3A_117 : i32
      %add3A_119 = arith.constant 96 : i32
      %add3A_120 = arith.addi %mul3A_118, %add3A_119 : i32
      %get3A = arith.index_cast %add3A_120 : i32 to index
      %get3A_121 = tpu.vector_load %arg6[%get3A] {strides = array<i32>} : memref<25600xf32, #tpu.memory_space<vmem>>, vector<16xf32>,
      %get3A_122 = vector.shape_cast %get3A_121 : vector<16xf32> to vector<16xf32>
      %add3A_123 = arith.addf %scan3A_112, %get3A_122 : vector<16xf32>
      %scan3A_124 = arith.constant 1 : i32
      %scan3A_125 = arith.addi %scan3A_111, %scan3A_124 : i32
      %mul3A_126 = arith.constant 1 : i32
      %mul3A_127 = arith.muli %scan3A_125, %mul3A_126 : i32
      %add3A_128 = arith.constant 0 : i32
      %add3A_129 = arith.addi %add3A_128, %mul3A_127 : i32
      %mul3A_130 = arith.constant 128 : i32
      %mul3A_131 = arith.muli %add3A_129, %mul3A_130 : i32
      %add3A_132 = arith.constant 96 : i32
      %add3A_133 = arith.addi %mul3A_131, %add3A_132 : i32
      %get3A_134 = arith.index_cast %add3A_133 : i32 to index
      %get3A_135 = tpu.vector_load %arg6[%get3A_134] {strides = array<i32>} : memref<25600xf32, #tpu.memory_space<vmem>>, vector<16xf32>,
      %get3A_136 = vector.shape_cast %get3A_135 : vector<16xf32> to vector<16xf32>
      %add3A_137 = arith.addf %add3A_123, %get3A_136 : vector<16xf32>
      %scan3A_138 = arith.constant 2 : i32
      %scan3A_139 = arith.addi %scan3A_111, %scan3A_138 : i32
      %mul3A_140 = arith.constant 1 : i32
      %mul3A_141 = arith.muli %scan3A_139, %mul3A_140 : i32
      %add3A_142 = arith.constant 0 : i32
      %add3A_143 = arith.addi %add3A_142, %mul3A_141 : i32
      %mul3A_144 = arith.constant 128 : i32
      %mul3A_145 = arith.muli %add3A_143, %mul3A_144 : i32
      %add3A_146 = arith.constant 96 : i32
      %add3A_147 = arith.addi %mul3A_145, %add3A_146 : i32
      %get3A_148 = arith.index_cast %add3A_147 : i32 to index
      %get3A_149 = tpu.vector_load %arg6[%get3A_148] {strides = array<i32>} : memref<25600xf32, #tpu.memory_space<vmem>>, vector<16xf32>,
      %get3A_150 = vector.shape_cast %get3A_149 : vector<16xf32> to vector<16xf32>
      %add3A_151 = arith.addf %add3A_137, %get3A_150 : vector<16xf32>
      %scan3A_152 = arith.constant 3 : i32
      %scan3A_153 = arith.addi %scan3A_111, %scan3A_152 : i32
      %mul3A_154 = arith.constant 1 : i32
      %mul3A_155 = arith.muli %scan3A_153, %mul3A_154 : i32
      %add3A_156 = arith.constant 0 : i32
      %add3A_157 = arith.addi %add3A_156, %mul3A_155 : i32
      %mul3A_158 = arith.constant 128 : i32
      %mul3A_159 = arith.muli %add3A_157, %mul3A_158 : i32
      %add3A_160 = arith.constant 96 : i32
      %add3A_161 = arith.addi %mul3A_159, %add3A_160 : i32
      %get3A_162 = arith.index_cast %add3A_161 : i32 to index
      %get3A_163 = tpu.vector_load %arg6[%get3A_162] {strides = array<i32>} : memref<25600xf32, #tpu.memory_space<vmem>>, vector<16xf32>,
      %get3A_164 = vector.shape_cast %get3A_163 : vector<16xf32> to vector<16xf32>
      %add3A_165 = arith.addf %add3A_151, %get3A_164 : vector<16xf32>
      %scan3A_166 = arith.constant 4 : i32
      %scan3A_167 = arith.addi %scan3A_111, %scan3A_166 : i32
      %mul3A_168 = arith.constant 1 : i32
      %mul3A_169 = arith.muli %scan3A_167, %mul3A_168 : i32
      %add3A_170 = arith.constant 0 : i32
      %add3A_171 = arith.addi %add3A_170, %mul3A_169 : i32
      %mul3A_172 = arith.constant 128 : i32
      %mul3A_173 = arith.muli %add3A_171, %mul3A_172 : i32
      %add3A_174 = arith.constant 96 : i32
      %add3A_175 = arith.addi %mul3A_173, %add3A_174 : i32
      %get3A_176 = arith.index_cast %add3A_175 : i32 to index
      %get3A_177 = tpu.vector_load %arg6[%get3A_176] {strides = array<i32>} : memref<25600xf32, #tpu.memory_space<vmem>>, vector<16xf32>,
      %get3A_178 = vector.shape_cast %get3A_177 : vector<16xf32> to vector<16xf32>
      %add3A_179 = arith.addf %add3A_165, %get3A_178 : vector<16xf32>
      %scan3A_180 = arith.constant 5 : i32
      %scan3A_181 = arith.addi %scan3A_111, %scan3A_180 : i32
      %mul3A_182 = arith.constant 1 : i32
      %mul3A_183 = arith.muli %scan3A_181, %mul3A_182 : i32
      %add3A_184 = arith.constant 0 : i32
      %add3A_185 = arith.addi %add3A_184, %mul3A_183 : i32
      %mul3A_186 = arith.constant 128 : i32
      %mul3A_187 = arith.muli %add3A_185, %mul3A_186 : i32
      %add3A_188 = arith.constant 96 : i32
      %add3A_189 = arith.addi %mul3A_187, %add3A_188 : i32
      %get3A_190 = arith.index_cast %add3A_189 : i32 to index
      %get3A_191 = tpu.vector_load %arg6[%get3A_190] {strides = array<i32>} : memref<25600xf32, #tpu.memory_space<vmem>>, vector<16xf32>,
      %get3A_192 = vector.shape_cast %get3A_191 : vector<16xf32> to vector<16xf32>
      %add3A_193 = arith.addf %add3A_179, %get3A_192 : vector<16xf32>
      %scan3A_194 = arith.constant 6 : i32
      %scan3A_195 = arith.addi %scan3A_111, %scan3A_194 : i32
      %mul3A_196 = arith.constant 1 : i32
      %mul3A_197 = arith.muli %scan3A_195, %mul3A_196 : i32
      %add3A_198 = arith.constant 0 : i32
      %add3A_199 = arith.addi %add3A_198, %mul3A_197 : i32
      %mul3A_200 = arith.constant 128 : i32
      %mul3A_201 = arith.muli %add3A_199, %mul3A_200 : i32
      %add3A_202 = arith.constant 96 : i32
      %add3A_203 = arith.addi %mul3A_201, %add3A_202 : i32
      %get3A_204 = arith.index_cast %add3A_203 : i32 to index
      %get3A_205 = tpu.vector_load %arg6[%get3A_204] {strides = array<i32>} : memref<25600xf32, #tpu.memory_space<vmem>>, vector<16xf32>,
      %get3A_206 = vector.shape_cast %get3A_205 : vector<16xf32> to vector<16xf32>
      %add3A_207 = arith.addf %add3A_193, %get3A_206 : vector<16xf32>
      %scan3A_208 = arith.constant 7 : i32
      %scan3A_209 = arith.addi %scan3A_111, %scan3A_208 : i32
      %mul3A_210 = arith.constant 1 : i32
      %mul3A_211 = arith.muli %scan3A_209, %mul3A_210 : i32
      %add3A_212 = arith.constant 0 : i32
      %add3A_213 = arith.addi %add3A_212, %mul3A_211 : i32
      %mul3A_214 = arith.constant 128 : i32
      %mul3A_215 = arith.muli %add3A_213, %mul3A_214 : i32
      %add3A_216 = arith.constant 96 : i32
      %add3A_217 = arith.addi %mul3A_215, %add3A_216 : i32
      %get3A_218 = arith.index_cast %add3A_217 : i32 to index
      %get3A_219 = tpu.vector_load %arg6[%get3A_218] {strides = array<i32>} : memref<25600xf32, #tpu.memory_space<vmem>>, vector<16xf32>,
      %get3A_220 = vector.shape_cast %get3A_219 : vector<16xf32> to vector<16xf32>
      %add3A_221 = arith.addf %add3A_207, %get3A_220 : vector<16xf32>
      scf.yield %add3A_221 : vector<16xf32>
    }
    %scan3A_94 = arith.constant 200 : i32
    %swap3A_95 = arith.constant 96 : index
    %swap3A_96 = tpu.vector_load %arg7[%swap3A_95] {strides = array<i32>} : memref<128xf32, #tpu.memory_space<vmem>>, vector<16xf32>,
    %swap3A_97 = vector.shape_cast %swap3A_96 : vector<16xf32> to vector<16xf32>
    %swap3A_98 = vector.shape_cast %scan3A_93 : vector<16xf32> to vector<16xf32>
    tpu.vector_store %arg7[%swap3A_95], %swap3A_98 {strides = array<i32>} : memref<128xf32, #tpu.memory_space<vmem>>, vector<16xf32>,
    %broadcast_in_dim3A_99 = arith.constant 0.000000e+00 : f32
    %broadcast_in_dim3A_100 = vector.broadcast %broadcast_in_dim3A_99 : f32 to vector<16xf32>
    %scan3A_101 = arith.constant 0 : i32
    %scan3A_102 = arith.constant 200 : i32
    %scan3A_103 = arith.addi %scan3A_101, %scan3A_102 : i32
    %scan3A_104 = arith.constant 8 : i32
    %scan3A_105 = scf.for %scan3A_111 = %scan3A_101 to %scan3A_103 step %scan3A_104 iter_args(%scan3A_112 = %broadcast_in_dim3A_100) -> (vector<16xf32>)  : i32 {
      %mul3A_113 = arith.constant 1 : i32
      %mul3A_114 = arith.muli %scan3A_111, %mul3A_113 : i32
      %add3A_115 = arith.constant 0 : i32
      %add3A_116 = arith.addi %add3A_115, %mul3A_114 : i32
      %mul3A_117 = arith.constant 128 : i32
      %mul3A_118 = arith.muli %add3A_116, %mul3A_117 : i32
      %add3A_119 = arith.constant 112 : i32
      %add3A_120 = arith.addi %mul3A_118, %add3A_119 : i32
      %get3A = arith.index_cast %add3A_120 : i32 to index
      %get3A_121 = tpu.vector_load %arg6[%get3A] {strides = array<i32>} : memref<25600xf32, #tpu.memory_space<vmem>>, vector<16xf32>,
      %get3A_122 = vector.shape_cast %get3A_121 : vector<16xf32> to vector<16xf32>
      %add3A_123 = arith.addf %scan3A_112, %get3A_122 : vector<16xf32>
      %scan3A_124 = arith.constant 1 : i32
      %scan3A_125 = arith.addi %scan3A_111, %scan3A_124 : i32
      %mul3A_126 = arith.constant 1 : i32
      %mul3A_127 = arith.muli %scan3A_125, %mul3A_126 : i32
      %add3A_128 = arith.constant 0 : i32
      %add3A_129 = arith.addi %add3A_128, %mul3A_127 : i32
      %mul3A_130 = arith.constant 128 : i32
      %mul3A_131 = arith.muli %add3A_129, %mul3A_130 : i32
      %add3A_132 = arith.constant 112 : i32
      %add3A_133 = arith.addi %mul3A_131, %add3A_132 : i32
      %get3A_134 = arith.index_cast %add3A_133 : i32 to index
      %get3A_135 = tpu.vector_load %arg6[%get3A_134] {strides = array<i32>} : memref<25600xf32, #tpu.memory_space<vmem>>, vector<16xf32>,
      %get3A_136 = vector.shape_cast %get3A_135 : vector<16xf32> to vector<16xf32>
      %add3A_137 = arith.addf %add3A_123, %get3A_136 : vector<16xf32>
      %scan3A_138 = arith.constant 2 : i32
      %scan3A_139 = arith.addi %scan3A_111, %scan3A_138 : i32
      %mul3A_140 = arith.constant 1 : i32
      %mul3A_141 = arith.muli %scan3A_139, %mul3A_140 : i32
      %add3A_142 = arith.constant 0 : i32
      %add3A_143 = arith.addi %add3A_142, %mul3A_141 : i32
      %mul3A_144 = arith.constant 128 : i32
      %mul3A_145 = arith.muli %add3A_143, %mul3A_144 : i32
      %add3A_146 = arith.constant 112 : i32
      %add3A_147 = arith.addi %mul3A_145, %add3A_146 : i32
      %get3A_148 = arith.index_cast %add3A_147 : i32 to index
      %get3A_149 = tpu.vector_load %arg6[%get3A_148] {strides = array<i32>} : memref<25600xf32, #tpu.memory_space<vmem>>, vector<16xf32>,
      %get3A_150 = vector.shape_cast %get3A_149 : vector<16xf32> to vector<16xf32>
      %add3A_151 = arith.addf %add3A_137, %get3A_150 : vector<16xf32>
      %scan3A_152 = arith.constant 3 : i32
      %scan3A_153 = arith.addi %scan3A_111, %scan3A_152 : i32
      %mul3A_154 = arith.constant 1 : i32
      %mul3A_155 = arith.muli %scan3A_153, %mul3A_154 : i32
      %add3A_156 = arith.constant 0 : i32
      %add3A_157 = arith.addi %add3A_156, %mul3A_155 : i32
      %mul3A_158 = arith.constant 128 : i32
      %mul3A_159 = arith.muli %add3A_157, %mul3A_158 : i32
      %add3A_160 = arith.constant 112 : i32
      %add3A_161 = arith.addi %mul3A_159, %add3A_160 : i32
      %get3A_162 = arith.index_cast %add3A_161 : i32 to index
      %get3A_163 = tpu.vector_load %arg6[%get3A_162] {strides = array<i32>} : memref<25600xf32, #tpu.memory_space<vmem>>, vector<16xf32>,
      %get3A_164 = vector.shape_cast %get3A_163 : vector<16xf32> to vector<16xf32>
      %add3A_165 = arith.addf %add3A_151, %get3A_164 : vector<16xf32>
      %scan3A_166 = arith.constant 4 : i32
      %scan3A_167 = arith.addi %scan3A_111, %scan3A_166 : i32
      %mul3A_168 = arith.constant 1 : i32
      %mul3A_169 = arith.muli %scan3A_167, %mul3A_168 : i32
      %add3A_170 = arith.constant 0 : i32
      %add3A_171 = arith.addi %add3A_170, %mul3A_169 : i32
      %mul3A_172 = arith.constant 128 : i32
      %mul3A_173 = arith.muli %add3A_171, %mul3A_172 : i32
      %add3A_174 = arith.constant 112 : i32
      %add3A_175 = arith.addi %mul3A_173, %add3A_174 : i32
      %get3A_176 = arith.index_cast %add3A_175 : i32 to index
      %get3A_177 = tpu.vector_load %arg6[%get3A_176] {strides = array<i32>} : memref<25600xf32, #tpu.memory_space<vmem>>, vector<16xf32>,
      %get3A_178 = vector.shape_cast %get3A_177 : vector<16xf32> to vector<16xf32>
      %add3A_179 = arith.addf %add3A_165, %get3A_178 : vector<16xf32>
      %scan3A_180 = arith.constant 5 : i32
      %scan3A_181 = arith.addi %scan3A_111, %scan3A_180 : i32
      %mul3A_182 = arith.constant 1 : i32
      %mul3A_183 = arith.muli %scan3A_181, %mul3A_182 : i32
      %add3A_184 = arith.constant 0 : i32
      %add3A_185 = arith.addi %add3A_184, %mul3A_183 : i32
      %mul3A_186 = arith.constant 128 : i32
      %mul3A_187 = arith.muli %add3A_185, %mul3A_186 : i32
      %add3A_188 = arith.constant 112 : i32
      %add3A_189 = arith.addi %mul3A_187, %add3A_188 : i32
      %get3A_190 = arith.index_cast %add3A_189 : i32 to index
      %get3A_191 = tpu.vector_load %arg6[%get3A_190] {strides = array<i32>} : memref<25600xf32, #tpu.memory_space<vmem>>, vector<16xf32>,
      %get3A_192 = vector.shape_cast %get3A_191 : vector<16xf32> to vector<16xf32>
      %add3A_193 = arith.addf %add3A_179, %get3A_192 : vector<16xf32>
      %scan3A_194 = arith.constant 6 : i32
      %scan3A_195 = arith.addi %scan3A_111, %scan3A_194 : i32
      %mul3A_196 = arith.constant 1 : i32
      %mul3A_197 = arith.muli %scan3A_195, %mul3A_196 : i32
      %add3A_198 = arith.constant 0 : i32
      %add3A_199 = arith.addi %add3A_198, %mul3A_197 : i32
      %mul3A_200 = arith.constant 128 : i32
      %mul3A_201 = arith.muli %add3A_199, %mul3A_200 : i32
      %add3A_202 = arith.constant 112 : i32
      %add3A_203 = arith.addi %mul3A_201, %add3A_202 : i32
      %get3A_204 = arith.index_cast %add3A_203 : i32 to index
      %get3A_205 = tpu.vector_load %arg6[%get3A_204] {strides = array<i32>} : memref<25600xf32, #tpu.memory_space<vmem>>, vector<16xf32>,
      %get3A_206 = vector.shape_cast %get3A_205 : vector<16xf32> to vector<16xf32>
      %add3A_207 = arith.addf %add3A_193, %get3A_206 : vector<16xf32>
      %scan3A_208 = arith.constant 7 : i32
      %scan3A_209 = arith.addi %scan3A_111, %scan3A_208 : i32
      %mul3A_210 = arith.constant 1 : i32
      %mul3A_211 = arith.muli %scan3A_209, %mul3A_210 : i32
      %add3A_212 = arith.constant 0 : i32
      %add3A_213 = arith.addi %add3A_212, %mul3A_211 : i32
      %mul3A_214 = arith.constant 128 : i32
      %mul3A_215 = arith.muli %add3A_213, %mul3A_214 : i32
      %add3A_216 = arith.constant 112 : i32
      %add3A_217 = arith.addi %mul3A_215, %add3A_216 : i32
      %get3A_218 = arith.index_cast %add3A_217 : i32 to index
      %get3A_219 = tpu.vector_load %arg6[%get3A_218] {strides = array<i32>} : memref<25600xf32, #tpu.memory_space<vmem>>, vector<16xf32>,
      %get3A_220 = vector.shape_cast %get3A_219 : vector<16xf32> to vector<16xf32>
      %add3A_221 = arith.addf %add3A_207, %get3A_220 : vector<16xf32>
      scf.yield %add3A_221 : vector<16xf32>
    }
    %scan3A_106 = arith.constant 200 : i32
    %swap3A_107 = arith.constant 112 : index
    %swap3A_108 = tpu.vector_load %arg7[%swap3A_107] {strides = array<i32>} : memref<128xf32, #tpu.memory_space<vmem>>, vector<16xf32>,
    %swap3A_109 = vector.shape_cast %swap3A_108 : vector<16xf32> to vector<16xf32>
    %swap3A_110 = vector.shape_cast %scan3A_105 : vector<16xf32> to vector<16xf32>
    tpu.vector_store %arg7[%swap3A_107], %swap3A_110 {strides = array<i32>} : memref<128xf32, #tpu.memory_space<vmem>>, vector<16xf32>,
    "tpu.region"() ({
      %run_scoped3A = tpu.sem_alloc : memref<!tpu.dma_semaphore, #tpu.memory_space<semaphore_mem>>
      %dma_start3A = tpu.memref_slice %arg4[%multiple_of3A] : memref<4096xf32, #tpu.memory_space<hbm>> -> memref<128xf32, #tpu.memory_space<hbm>>
      %dma_start3A_111 = tpu.memref_slice %arg4[%multiple_of3A] : memref<4096xf32, #tpu.memory_space<hbm>> -> memref<128xf32, #tpu.memory_space<hbm>>
      tpu.enqueue_dma source(%arg7 : memref<128xf32, #tpu.memory_space<vmem>>) target(%dma_start3A_111 : memref<128xf32, #tpu.memory_space<hbm>>) target_semaphore(%run_scoped3A : memref<!tpu.dma_semaphore, #tpu.memory_space<semaphore_mem>>)
      %dma_wait3A_112 = tpu.memref_slice %arg4[%multiple_of3A] : memref<4096xf32, #tpu.memory_space<hbm>> -> memref<128xf32, #tpu.memory_space<hbm>>
      %dma_wait3A_113 = tpu.memref_slice %arg4[%multiple_of3A] : memref<4096xf32, #tpu.memory_space<hbm>> -> memref<128xf32, #tpu.memory_space<hbm>>
      tpu.wait_dma2 semaphore(%run_scoped3A : memref<!tpu.dma_semaphore, #tpu.memory_space<semaphore_mem>>) src(%arg7 : memref<128xf32, #tpu.memory_space<vmem>>) dst(%dma_wait3A_113 : memref<128xf32, #tpu.memory_space<hbm>>)
      tpu.yield
    }) : () -> ()
    return
  }
}

module attributes {stable_mosaic.version = 14 : i64} {
  func.func @_tc_scores_body(%arg0: i32, %arg1: memref<1x64xf32, #tpu.memory_space<vmem>>, %arg2: memref<1x1xf32, #tpu.memory_space<vmem>>, %arg3: memref<64x32768xf32, #tpu.memory_space<vmem>>, %arg4: memref<1x32768xf32, #tpu.memory_space<vmem>>) attributes {dimension_semantics = [#tpu.dimension_semantics<arbitrary>], iteration_bounds = array<i64: 31>, scalar_prefetch = 0 : i64, scratch_operands = 0 : i64, tpu.core_type = #tpu.core_type<tc>, window_params = [{pipeline_mode = #tpu.pipeline_mode<synchronous>, transform_indices = @transform_0, window_bounds = array<i64: 1, 64>}, {pipeline_mode = #tpu.pipeline_mode<synchronous>, transform_indices = @transform_1, window_bounds = array<i64: 1, 1>}, {transform_indices = @transform_2, window_bounds = array<i64: 64, 32768>}, {transform_indices = @transform_3, window_bounds = array<i64: 1, 32768>}]} {
    %get3A = arith.constant 0 : index
    %get3A_0 = arith.constant 0 : index
    %get3A_1 = vector.load %arg1[%get3A, %get3A_0] : memref<1x64xf32, #tpu.memory_space<vmem>>, vector<1x64xf32>
    %get3A_2 = arith.constant 0 : index
    %get3A_3 = arith.constant 0 : index
    %get3A_4 = vector.load %arg3[%get3A_2, %get3A_3] : memref<64x32768xf32, #tpu.memory_space<vmem>>, vector<64x32768xf32>
    %dot_general3A = arith.constant dense<0.000000e+00> : vector<1x32768xf32>
    %dot_general3A_5 = tpu.matmul %get3A_1, %get3A_4, %dot_general3A {dimension_numbers = #tpu.dot_dimension_numbers<[1], [0], [0], [1], [0, 0, 1, 1], [], []>, transpose_lhs_hint = false} : vector<1x64xf32>, vector<64x32768xf32>, vector<1x32768xf32> -> vector<1x32768xf32>
    %get3A_6 = arith.constant 0 : index
    %get3A_7 = arith.constant 0 : index
    %get3A_8 = vector.load %arg2[%get3A_6, %get3A_7] : memref<1x1xf32, #tpu.memory_space<vmem>>, vector<1x1xf32>
    %get3A_9 = vector.extract %get3A_8[0, 0] : f32 from vector<1x1xf32>
    %add3A = vector.broadcast %get3A_9 : f32 to vector<1x32768xf32>
    %add3A_10 = arith.addf %dot_general3A_5, %add3A : vector<1x32768xf32>
    %mul3A = arith.constant 5.000000e-03 : f32
    %mul3A_11 = vector.broadcast %mul3A : f32 to vector<1x32768xf32>
    %mul3A_12 = arith.mulf %add3A_10, %mul3A_11 : vector<1x32768xf32>
    %swap3A = arith.constant 0 : index
    %swap3A_13 = arith.constant 0 : index
    %swap3A_14 = vector.load %arg4[%swap3A, %swap3A_13] : memref<1x32768xf32, #tpu.memory_space<vmem>>, vector<1x32768xf32>
    tpu.vector_store %arg4[%swap3A, %swap3A_13], %mul3A_12 {strides = array<i32>} : memref<1x32768xf32, #tpu.memory_space<vmem>>, vector<1x32768xf32>,
    return
  }
  func.func @transform_0(%arg0: i32) -> (i32, i32) {
    %c0_i32 = arith.constant 0 : i32
    %c0_i32_0 = arith.constant 0 : i32
    %c0_i32_1 = arith.constant 0 : i32
    return %c0_i32, %c0_i32_0 : i32, i32
  }
  func.func @transform_1(%arg0: i32) -> (i32, i32) {
    %c0_i32 = arith.constant 0 : i32
    %c0_i32_0 = arith.constant 0 : i32
    %c0_i32_1 = arith.constant 0 : i32
    return %c0_i32, %c0_i32_0 : i32, i32
  }
  func.func @transform_2(%arg0: i32) -> (i32, i32) {
    %c0_i32 = arith.constant 0 : i32
    %c0_i32_0 = arith.constant 0 : i32
    return %c0_i32, %arg0 : i32, i32
  }
  func.func @transform_3(%arg0: i32) -> (i32, i32) {
    %c0_i32 = arith.constant 0 : i32
    %c0_i32_0 = arith.constant 0 : i32
    return %c0_i32, %arg0 : i32, i32
  }
}

</mosaic_0001>

<sc_bundles>
// kernel: kernel.4.cloned.1.call-start
scs
__scs_entry_jumppad:
0x0: {  	(pc) =	sbr.rel $0x88, $3  }
0x1: {  	(tag) =	ssettag $0x0;
	lr =	simm.s32 $0x1  }
0x2: {  	[smem:$0x3F9D] =	sst lr;
	_ =	strace $0xD0000000  }
0x3: {  	_ = 	snop  }
0x4: {  	_ = 	snop  }
0x5: {  	_ = 	snop  }
0x6: {  	_ = 	snop  }
0x7: {  	_ = 	snop  }
__scs_overlays_trampoline_lowered:
0x8: {  	[smem:$0x3FAC] =	sst s0  }
0x9: {  	[smem:$0x3FAD] =	sst s1  }
0xa: {  	[smem:$0x3FAE] =	sst s2  }
0xb: {  	[smem:$0x3FAF] =	sst s3  }
0xc: {  	[smem:$0x3FB0] =	sst s4  }
0xd: {  	[smem:$0x3FB1] =	sst s5  }
0xe: {  	[smem:$0x3FB2] =	sst s6  }
0xf: {  	[smem:$0x3FB3] =	sst s7  }
0x10: {  	[smem:$0x3FB4] =	sst s8  }
0x11: {  	[smem:$0x3FB5] =	sst s9;
	s0 =	simm.s32 @!p0 $0x0  }
0x12: {  	s1 =	sld [smem:$0x3F9B];
	s0 =	simm.s32 @p0 $0x1  }
0x13: {  	[smem:$0x3FB6] =	sst s0;
	s0 =	simm.s32 @!p1 $0x0  }
0x14: {  	s2 =	sld [smem:$0x3F9A];
	s0 =	simm.s32 @p1 $0x1  }
0x15: {  	[smem:$0x3FB7] =	sst s0;
	s0 =	simm.s32 @!p2 $0x0  }
0x16: {  	s3 =	sld [smem:$0x3FDB];
	s0 =	simm.s32 @p2 $0x1  }
0x17: {  	s4 =	simm.s32 $0x1BF5;
	[smem:$0x3FB9] =	sst s0  }
0x18: {  	s0 =	sld [smem:$0x3F9C];
	_ =	swait.ge [sflag:s4], $0x0  }
0x19: {  	s7 =	sld [smem:$0x3F9D]  }
0x1a: {  	s8 =	sadd.s32 $0xFFFFE003, lr  }
0x1b: {  	s9 =	sadd.s32 $0xFFFFFEF7, lr;
	s5 =	simm.s32 $0xFFFFFFFF;
	p2 =	slt.u32 s8, $0xFFFFF086  }
0x1c: {  	p1 =	slt.u32 s9, $0xF7A;
	s5 =	simm.s32 @!p2 $0x0  }
0x1d: {  	s5 =	simm.s32 @p1 $0x1;
	p0 =	seq.s32 s7, s2  }
0x1e: {  	s7 =	smul.u32 @!p0 $0xF7A, s2;
	p2 =	seq.s32 @!p0 s5, $0x0  }
0x1f: {  	s9 =	smul.u32 $0xF7A, s1;
	s8 =	simm.s32 @!p0 $0x1BF5;
	p2 =	por !p2, p0  }
0x20: {  	[sflag:s8] =	ssyncset.s32 @!p0 $0xFFFFF086;
	s6 =	sadd.s32 @!p0 s3, s7;
	s7 =	simm.s32 @!p0 $0x108  }
0x21: {  	s3 =	sadd.s32 s3, s9;
	s6 =	sadd.s32 @!p0 $0x88, s6;
	s7 =	simm.s32 @p2 $0x1082  }
0x22: {  	[simem:s7], [sflag:s8] =	dma.local @!p0 [hbm:s6], $0xF7A  }
0x23: {  	s9 =	sor.u32 $0xD0000000, s2;
	s6 =	simm.s32 $0x108;
	_ =	swait.ge @!p0 [sflag:s8], $0x0  }
0x24: {  	s3 =	sadd.s32 $0x88, s3;
	s6 =	simm.s32 @!p1 $0x1082;
	[sflag:s4] =	ssyncset.s32 $0xFFFFF086  }
0x25: {  	[simem:s6], [sflag:s4] =	dma.local [hbm:s3], $0xF7A  }
0x26: {  	[smem:$0x3F9D] =	sst s1;
	(tag) =	ssettag s2;
	_ =	strace s9  }
0x27: {  	s1 =	sld [smem:$0x3FAD]  }
0x28: {  	s2 =	sld [smem:$0x3FAE]  }
0x29: {  	s4 =	sld [smem:$0x3FB0]  }
0x2a: {  	p0 =	seq.s32 s5, $0x0;
	s5 =	sld [smem:$0x3FB1]  }
0x2b: {  	s6 =	sld [smem:$0x3FB2]  }
0x2c: {  	s7 =	sld [smem:$0x3FB3]  }
0x2d: {  	s3 =	simm.s32 $0x108;
	s8 =	sld [smem:$0x3FB4]  }
0x2e: {  	s3 =	simm.s32 @!p0 $0x1082;
	s9 =	sld [smem:$0x3FB5]  }
0x2f: {  	lr =	sadd.s32 s0, s3;
	s0 =	sld [smem:$0x3FAC]  }
0x30: {  	s3 =	sld [smem:$0x3FAF]  }
0x31: {  	[smem:$0x3FB8] =	sst s10  }
0x32: {  	s10 =	sld [smem:$0x3FB6];
	_ =	sdelay $0x3  }
0x33: {  	p0 =	seq.s32 s10, $0x1;
	s10 =	sld [smem:$0x3FB8];
	_ =	sdelay $0x3  }
0x34: {  	[smem:$0x3FB8] =	sst s10  }
0x35: {  	s10 =	sld [smem:$0x3FB7];
	_ =	sdelay $0x3  }
0x36: {  	p1 =	seq.s32 s10, $0x1;
	s10 =	sld [smem:$0x3FB8];
	_ =	sdelay $0x3  }
0x37: {  	[smem:$0x3FB8] =	sst s10  }
0x38: {  	s10 =	sld [smem:$0x3FB9]  }
0x39: {  	_ = 	snop;
	(pc) =	sbr.ind lr, $3  }
0x3a: {  	_ = 	snop  }
0x3b: {  	_ = 	snop  }
0x3c: {  	p2 =	seq.s32 s10, $0x1;
	s10 =	sld [smem:$0x3FB8]  }
0x3d: {  	_ =	shalt  }
0x3e: {  	_ =	shalt  }
0x3f: {  	_ =	shalt  }
0x40: {  	_ =	shalt  }
0x41: {  	_ =	shalt  }
0x42: {  	_ =	shalt  }
0x43: {  	_ =	shalt  }
0x44: {  	_ =	shalt  }
0x45: {  	_ =	shalt  }
0x46: {  	_ =	shalt  }
0x47: {  	_ =	shalt  }
0x48: {  	_ =	shalt  }
0x49: {  	_ =	shalt  }
0x4a: {  	_ =	shalt  }
0x4b: {  	_ =	shalt  }
0x4c: {  	_ =	shalt  }
0x4d: {  	_ =	shalt  }
0x4e: {  	_ =	shalt  }
0x4f: {  	_ =	shalt  }
0x50: {  	_ =	shalt  }
0x51: {  	_ =	shalt  }
0x52: {  	_ =	shalt  }
0x53: {  	_ =	shalt  }
0x54: {  	_ =	shalt  }
0x55: {  	_ =	shalt  }
0x56: {  	_ =	shalt  }
0x57: {  	_ =	shalt  }
0x58: {  	_ =	shalt  }
0x59: {  	_ =	shalt  }
0x5a: {  	_ =	shalt  }
0x5b: {  	_ =	shalt  }
0x5c: {  	_ =	shalt  }
0x5d: {  	_ =	shalt  }
0x5e: {  	_ =	shalt  }
0x5f: {  	_ =	shalt  }
0x60: {  	_ =	shalt  }
0x61: {  	_ =	shalt  }
0x62: {  	_ =	shalt  }
0x63: {  	_ =	shalt  }
0x64: {  	_ =	shalt  }
0x65: {  	_ =	shalt  }
0x66: {  	_ =	shalt  }
0x67: {  	_ =	shalt  }
0x68: {  	_ =	shalt  }
0x69: {  	_ =	shalt  }
0x6a: {  	_ =	shalt  }
0x6b: {  	_ =	shalt  }
0x6c: {  	_ =	shalt  }
0x6d: {  	_ =	shalt  }
0x6e: {  	_ =	shalt  }
0x6f: {  	_ =	shalt  }
0x70: {  	_ =	shalt  }
0x71: {  	_ =	shalt  }
0x72: {  	_ =	shalt  }
0x73: {  	_ =	shalt  }
0x74: {  	_ =	shalt  }
0x75: {  	_ =	shalt  }
0x76: {  	_ =	shalt  }
0x77: {  	_ =	shalt  }
0x78: {  	_ =	shalt  }
0x79: {  	_ =	shalt  }
0x7a: {  	_ =	shalt  }
0x7b: {  	_ =	shalt  }
0x7c: {  	_ =	shalt  }
0x7d: {  	_ =	shalt  }
0x7e: {  	_ =	shalt  }
0x7f: {  	_ =	shalt  }
0x80: {  	_ =	shalt  }
0x81: {  	_ =	shalt  }
0x82: {  	_ =	shalt  }
0x83: {  	_ =	shalt  }
0x84: {  	_ =	shalt  }
0x85: {  	_ =	shalt  }
0x86: {  	_ =	shalt  }
0x87: {  	_ =	shalt  }
.Lfunc_end0:
.L_simem_size_0:
called_computation_lowered:
.L_overlay_start_0:
0x88: {  	s2 =	sld [smem:$0x3FD9]  }
0x89: {  	s3 =	sld [smem:$0x3FFE];
	_ =	sdelay $0x1  }
0x8a: {  	s1 =	srdreg.scid  }
0x8b: {  	s0 =	sand.u32 $0x1, s1  }
0x8c: {  	s17 =	sshll.u32 s0, $0xA;
	s2 =	sadd.s32 s3, s2  }
0x8d: {  	s2 =	sadd.s32 s2, s17  }
0x8e: {  	[smem:$0x3FC4] =	sst s2  }
0x8f: {  	_ = 	snop  }
0x90: {  	s2 =	sld [smem:$0x3FC9]  }
0x91: {  	s18 =	sld [smem:$0x3FD0];
	(tm) =	ssettm $0x1  }
0x92: {  	s4 =	sld [smem:$0x3FFB];
	_ =	sdelay $0x3  }
0x93: {  	_ =	strace s4  }
0x94: {  	s4 =	sld [smem:$0x3FFC];
	_ =	sdelay $0x3  }
0x95: {  	_ =	strace s4  }
0x96: {  	s4 =	sld [smem:$0x3FFD];
	_ =	sdelay $0x3  }
0x97: {  	_ =	strace s4  }
0x98: {  	_ =	strace $0x8FFFFFFF  }
0x99: {  	s19 =	sld [smem:$0x3FDB];
	_ =	sdelay $0x1  }
0x9a: {  	s5 =	simm.s32 $_scs_section_size  }
0x9b: {  	s6 =	simm.s32 $_size__tile_overlayer_lowered;
	s7 =	simm.s32 $_tile_overlayer_lowered  }
0x9c: {  	s22 =	simm.s32 $0x1BFF;
	s21 =	sshll.u32 s7, $0x1;
	s4 =	sadd.s32 s5, s19  }
0x9d: {  	s8 =	simm.s32 $0x0;
	s20 =	sshll.u32 s6, $0x1;
	s6 =	sadd.s32 s21, s4  }
0x9e: {  	[timem:s8], [sflag:s22] =	dma.local [hbm:s6], s20  }
0x9f: {  	_ =	swait.ge [sflag:s22], s20  }
0xa0: {  	s5 =	ssub.s32 $0x0, s20;
	[sflag:s22] =	ssyncset.done $0x0  }
0xa1: {  	[sflag:s22] =	ssyncadd.s32 s5;
	_ =	sdelay $0x1  }
0xa2: {  	s23 =	simm.s32 $0x1B8B  }
0xa3: {  	_ =	swait.ge [sflag:s23], $0x1  }
0xa4: {  	[sflag:s23] =	ssyncset.done $0x0  }
0xa5: {  	s25 =	simm.s32 $0x1B8E;
	s24 =	sld [smem:$0x3FFE];
	[sflag:s23] =	ssyncadd.s32 $0xFFFFFFFF  }
0xa6: {  	s26 =	simm.s32 $execute0_lowered;
	[smem:$0x3FD2] =	sst s25  }
0xa7: {  	s6 =	sshll.u32 s26, $0x1;
	_ =	strace $0x80000046;
	[dreg:$0x1] =	wrdreg $0xFFFFFFFF  }
0xa8: {  	s28 =	simm.s32 $_size_execute0_lowered;
	s4 =	sadd.s32 s4, s6;
	[dreg:$0x0] =	wrdreg $0x0  }
0xa9: {  	s6 =	sshll.u32 s28, $0x1;
	[dreg:$0x2] =	wrdreg s4  }
0xaa: {  	[dreg:$0x3] =	wrdreg s6  }
0xab: {  	[dreg:$0x4] =	wrdreg $0xC0  }
0xac: {  	_ =	task [dreg:s8], $0x5FFFF  }
0xad: {  	[dreg:$0x1] =	wrdreg $0xFFFFFFFF  }
0xae: {  	[dreg:$0x0] =	wrdreg $0x60  }
0xaf: {  	[dreg:$0x2] =	wrdreg s2  }
0xb0: {  	[dreg:$0x3] =	wrdreg s24  }
0xb1: {  	[dreg:$0x4] =	wrdreg s18  }
0xb2: {  	[dreg:$0x5] =	wrdreg $0x9  }
0xb3: {  	_ =	task.clear_ibuf [dreg:s8], $0x6FFFF;
	_ =	strace $0x90000046  }
0xb4: {  	s29 =	simm.s32 $0x9;
	_ =	strace $0x80000048  }
0xb5: {  	_ =	swait.ge [sflag:s29], $0x1  }
0xb6: {  	[sflag:s29] =	ssyncadd.s32 $0xFFFFFFFF  }
0xb7: {  	_ =	strace $0x90000048  }
0xb8: {  	_ =	sfence  }
0xb9: {  	s30 =	sld [smem:$0x0];
	_ =	sdelay $0x2  }
0xba: {  	s31 =	sshll.u32 s1, $0xD;
	s1 =	sshrl.u32 s1, $0x2  }
0xbb: {  	s3 =	sand.u32 $0x4000, s31;
	s1 =	sadd.s32 s1, s30  }
0xbc: {  	s0 =	sor.u32 s3, s0;
	s1 =	sshll.u32 s1, $0x11  }
0xbd: {  	s0 =	sor.u32 s1, s0  }
0xbe: {  	s0 =	sadd.s32 $0x8F2B, s0  }
0xbf: {  	[sflag:s0] =	ssyncadd.remote.s32 $0x1  }
0xc0: {  	_ =	sfence.sel $0xFFFF  }
0xc1: {  	[dreg:$0x0] =	wrdreg $0xFFFFFFFF;
	(pc) =	sbr.abs _section_cstart, $3  }
0xc2: {  	[dreg:$0x1] =	wrdreg $0xFFFFFFFF  }
0xc3: {  	_ =	task.clear_ibuf [dreg:s8], $0x2FFFF;
	_ =	strace $0x9FFFFFFF  }
0xc4: {  	(tm) =	ssettm $0x7FFFFFFF  }
0xc5: {  	_ =	shalt  }
tec
execute0_lowered:
.L_overlay_start_1:
0x0: {  	(tag) =	ssettag $0x1  }
0x1: {  	s0 =	rddreg [dreg:$0x0]  }
0x2: {  	s1 =	rddreg [dreg:$0x1]  }
0x3: {  	s5 =	rddreg [dreg:$0x2];
	s2 =	simm.s32 $0x0  }
0x4: {  	s3 =	srdreg.scid;
	s7 =	stileid.u32;
	s8 =	simm.s32 $0x8000  }
0x5: {  	s9 =	simm.s32 $0x2;
	s10 =	simm.s32 $0x80;
	s16 =	simm.s32 $0x6000  }
0x6: {  	s17 =	simm.s32 $0xC400;
	s18 =	simm.s32 $0x6080;
	s19 =	simm.s32 $0xC480  }
0x7: {  	s20 =	simm.s32 $0x6100;
	s21 =	simm.s32 $0xC500;
	s22 =	simm.s32 $0x6180  }
0x8: {  	s23 =	simm.s32 $0xC580;
	s24 =	simm.s32 $0x6200;
	s28 =	simm.s32 $0xC680  }
0x9: {  	s29 =	simm.s32 $0x6300;
	s30 =	simm.s32 $0xC700;
	s31 =	simm.s32 $0x6380  }
0xa: {  	s11 =	simm.s32 $0xC800;
	s12 =	simm.s32 $0x0;
	[smem:$0x7FF] =	sst s2  }
0xb: {  	s4 =	sand.u32 $0x1, s3;
	s7 =	sshll.u32 s7, $0x1;
	s3 =	sadd.s32 $0x800, s1  }
0xc: {  	_ =	strace $0x80000047;
	s6 =	ssub.s32 $0x2, s4;
	s4 =	sor.u32 s4, s7  }
0xd: {  	s25 =	sshrl.u32 s6, $0x1;
	s26 =	sshll.u32 s4, $0x7;
	s7 =	sshll.u32 s4, $0x4  }
0xe: {  	s1 =	ssub.s32 s6, s25;
	s4 =	sadd.s32 s0, s26;
	s5 =	sadd.s32 s5, s7  }
0xf: {  	s7 =	simm.s32 $0x400;
	s25 =	simm.s32 $0xC600;
	s26 =	simm.s32 $0x6280  }
0x10: {  	s0 =	simm.s32 $0xC780;
	s6 =	smax.u32 s1, $0x1;
	s1 =	simm.s32 $0x1  }
.LBB2_1:
0x11: {  	[tilespmem:s2], [sflag:$0x2] =	stream.strided.gather [hbm4b:s4+s7], $0x6400, s8, s7, $0x38;
	[tilespmem:$0xC880] =	vst v63  }
0x12: {  	_ =	swait.ge [sflag:s9], $0x6400  }
0x13: {  	[sflag:s9] =	ssyncset.done $0x0  }
0x14: {  	s13 =	simm.s32 $0x6400;
	[sflag:s9] =	ssyncadd.s32 $0xFFFF9C00  }
0x15: {  	[tilespmem:s13], [sflag:$0x1] =	stream.indirect.gather [hbm4b:s3+s10], $0x1, s2, s10, $0xb8;
	[tilespmem:$0xC880] =	vst v63  }
0x16: {  	s14 =	simm.s32 $0x6480  }
0x17: {  	[tilespmem:s14], [sflag:$0x1] =	stream.indirect.gather [hbm4b:s3+s10], $0x1, s10, s10, $0xb8;
	[tilespmem:$0xC880] =	vst v63  }
0x18: {  	s15 =	simm.s32 $0x100;
	s14 =	simm.s32 $0x6500  }
0x19: {  	[tilespmem:s14], [sflag:$0x1] =	stream.indirect.gather [hbm4b:s3+s10], $0x1, s15, s10, $0xb8;
	[tilespmem:$0xC880] =	vst v63  }
0x1a: {  	s14 =	simm.s32 $0x180;
	s15 =	simm.s32 $0x6580  }
0x1b: {  	[tilespmem:s15], [sflag:$0x1] =	stream.indirect.gather [hbm4b:s3+s10], $0x1, s14, s10, $0xb8;
	[tilespmem:$0xC880] =	vst v63  }
0x1c: {  	s13 =	simm.s32 $0x6600;
	s15 =	simm.s32 $0x200  }
0x1d: {  	[tilespmem:s13], [sflag:$0x1] =	stream.indirect.gather [hbm4b:s3+s10], $0x1, s15, s10, $0xb8;
	[tilespmem:$0xC880] =	vst v63  }
0x1e: {  	s14 =	simm.s32 $0x280;
	s15 =	simm.s32 $0x6680  }
0x1f: {  	[tilespmem:s15], [sflag:$0x1] =	stream.indirect.gather [hbm4b:s3+s10], $0x1, s14, s10, $0xb8;
	[tilespmem:$0xC880] =	vst v63  }
0x20: {  	s14 =	simm.s32 $0x300;
	s15 =	simm.s32 $0x6700  }
0x21: {  	[tilespmem:s15], [sflag:$0x1] =	stream.indirect.gather [hbm4b:s3+s10], $0x1, s14, s10, $0xb8;
	[tilespmem:$0xC880] =	vst v63  }
0x22: {  	s14 =	simm.s32 $0x380;
	s15 =	simm.s32 $0x6780  }
0x23: {  	[tilespmem:s15], [sflag:$0x1] =	stream.indirect.gather [hbm4b:s3+s10], $0x1, s14, s10, $0xb8;
	[tilespmem:$0xC880] =	vst v63  }
0x24: {  	s15 =	simm.s32 $0x6800  }
0x25: {  	[tilespmem:s15], [sflag:$0x1] =	stream.indirect.gather [hbm4b:s3+s10], $0x1, s7, s10, $0xb8;
	[tilespmem:$0xC880] =	vst v63  }
0x26: {  	s14 =	simm.s32 $0x480;
	s15 =	simm.s32 $0x6880  }
0x27: {  	[tilespmem:s15], [sflag:$0x1] =	stream.indirect.gather [hbm4b:s3+s10], $0x1, s14, s10, $0xb8;
	[tilespmem:$0xC880] =	vst v63  }
0x28: {  	s14 =	simm.s32 $0x500;
	s15 =	simm.s32 $0x6900  }
0x29: {  	[tilespmem:s15], [sflag:$0x1] =	stream.indirect.gather [hbm4b:s3+s10], $0x1, s14, s10, $0xb8;
	[tilespmem:$0xC880] =	vst v63  }
0x2a: {  	s14 =	simm.s32 $0x580;
	s15 =	simm.s32 $0x6980  }
0x2b: {  	[tilespmem:s15], [sflag:$0x1] =	stream.indirect.gather [hbm4b:s3+s10], $0x1, s14, s10, $0xb8;
	[tilespmem:$0xC880] =	vst v63  }
0x2c: {  	s14 =	simm.s32 $0x600;
	s15 =	simm.s32 $0x6A00  }
0x2d: {  	[tilespmem:s15], [sflag:$0x1] =	stream.indirect.gather [hbm4b:s3+s10], $0x1, s14, s10, $0xb8;
	[tilespmem:$0xC880] =	vst v63  }
0x2e: {  	s14 =	simm.s32 $0x680;
	s15 =	simm.s32 $0x6A80  }
0x2f: {  	[tilespmem:s15], [sflag:$0x1] =	stream.indirect.gather [hbm4b:s3+s10], $0x1, s14, s10, $0xb8;
	[tilespmem:$0xC880] =	vst v63  }
0x30: {  	s14 =	simm.s32 $0x700;
	s15 =	simm.s32 $0x6B00  }
0x31: {  	[tilespmem:s15], [sflag:$0x1] =	stream.indirect.gather [hbm4b:s3+s10], $0x1, s14, s10, $0xb8;
	[tilespmem:$0xC880] =	vst v63  }
0x32: {  	s14 =	simm.s32 $0x780;
	s15 =	simm.s32 $0x6B80  }
0x33: {  	[tilespmem:s15], [sflag:$0x1] =	stream.indirect.gather [hbm4b:s3+s10], $0x1, s14, s10, $0xb8;
	[tilespmem:$0xC880] =	vst v63  }
0x34: {  	s14 =	simm.s32 $0x800;
	s15 =	simm.s32 $0x6C00  }
0x35: {  	[tilespmem:s15], [sflag:$0x1] =	stream.indirect.gather [hbm4b:s3+s10], $0x1, s14, s10, $0xb8;
	[tilespmem:$0xC880] =	vst v63  }
0x36: {  	s14 =	simm.s32 $0x880;
	s15 =	simm.s32 $0x6C80  }
0x37: {  	[tilespmem:s15], [sflag:$0x1] =	stream.indirect.gather [hbm4b:s3+s10], $0x1, s14, s10, $0xb8;
	[tilespmem:$0xC880] =	vst v63  }
0x38: {  	s14 =	simm.s32 $0x900;
	s15 =	simm.s32 $0x6D00  }
0x39: {  	[tilespmem:s15], [sflag:$0x1] =	stream.indirect.gather [hbm4b:s3+s10], $0x1, s14, s10, $0xb8;
	[tilespmem:$0xC880] =	vst v63  }
0x3a: {  	s14 =	simm.s32 $0x980;
	s15 =	simm.s32 $0x6D80  }
0x3b: {  	[tilespmem:s15], [sflag:$0x1] =	stream.indirect.gather [hbm4b:s3+s10], $0x1, s14, s10, $0xb8;
	[tilespmem:$0xC880] =	vst v63  }
0x3c: {  	s14 =	simm.s32 $0xA00;
	s15 =	simm.s32 $0x6E00  }
0x3d: {  	[tilespmem:s15], [sflag:$0x1] =	stream.indirect.gather [hbm4b:s3+s10], $0x1, s14, s10, $0xb8;
	[tilespmem:$0xC880] =	vst v63  }
0x3e: {  	s14 =	simm.s32 $0xA80;
	s15 =	simm.s32 $0x6E80  }
0x3f: {  	[tilespmem:s15], [sflag:$0x1] =	stream.indirect.gather [hbm4b:s3+s10], $0x1, s14, s10, $0xb8;
	[tilespmem:$0xC880] =	vst v63  }
0x40: {  	s14 =	simm.s32 $0xB00;
	s15 =	simm.s32 $0x6F00  }
0x41: {  	[tilespmem:s15], [sflag:$0x1] =	stream.indirect.gather [hbm4b:s3+s10], $0x1, s14, s10, $0xb8;
	[tilespmem:$0xC880] =	vst v63  }
0x42: {  	s14 =	simm.s32 $0xB80;
	s15 =	simm.s32 $0x6F80  }
0x43: {  	[tilespmem:s15], [sflag:$0x1] =	stream.indirect.gather [hbm4b:s3+s10], $0x1, s14, s10, $0xb8;
	[tilespmem:$0xC880] =	vst v63  }
0x44: {  	s14 =	simm.s32 $0xC00;
	s15 =	simm.s32 $0x7000  }
0x45: {  	[tilespmem:s15], [sflag:$0x1] =	stream.indirect.gather [hbm4b:s3+s10], $0x1, s14, s10, $0xb8;
	[tilespmem:$0xC880] =	vst v63  }
0x46: {  	s14 =	simm.s32 $0xC80;
	s15 =	simm.s32 $0x7080  }
0x47: {  	[tilespmem:s15], [sflag:$0x1] =	stream.indirect.gather [hbm4b:s3+s10], $0x1, s14, s10, $0xb8;
	[tilespmem:$0xC880] =	vst v63  }
0x48: {  	s14 =	simm.s32 $0xD00;
	s15 =	simm.s32 $0x7100  }
0x49: {  	[tilespmem:s15], [sflag:$0x1] =	stream.indirect.gather [hbm4b:s3+s10], $0x1, s14, s10, $0xb8;
	[tilespmem:$0xC880] =	vst v63  }
0x4a: {  	s14 =	simm.s32 $0xD80;
	s15 =	simm.s32 $0x7180  }
0x4b: {  	[tilespmem:s15], [sflag:$0x1] =	stream.indirect.gather [hbm4b:s3+s10], $0x1, s14, s10, $0xb8;
	[tilespmem:$0xC880] =	vst v63  }
0x4c: {  	s14 =	simm.s32 $0xE00;
	s15 =	simm.s32 $0x7200  }
0x4d: {  	[tilespmem:s15], [sflag:$0x1] =	stream.indirect.gather [hbm4b:s3+s10], $0x1, s14, s10, $0xb8;
	[tilespmem:$0xC880] =	vst v63  }
0x4e: {  	s14 =	simm.s32 $0xE80;
	s15 =	simm.s32 $0x7280  }
0x4f: {  	[tilespmem:s15], [sflag:$0x1] =	stream.indirect.gather [hbm4b:s3+s10], $0x1, s14, s10, $0xb8;
	[tilespmem:$0xC880] =	vst v63  }
0x50: {  	s14 =	simm.s32 $0xF00;
	s15 =	simm.s32 $0x7300  }
0x51: {  	[tilespmem:s15], [sflag:$0x1] =	stream.indirect.gather [hbm4b:s3+s10], $0x1, s14, s10, $0xb8;
	[tilespmem:$0xC880] =	vst v63  }
0x52: {  	s14 =	simm.s32 $0xF80;
	s15 =	simm.s32 $0x7380  }
0x53: {  	[tilespmem:s15], [sflag:$0x1] =	stream.indirect.gather [hbm4b:s3+s10], $0x1, s14, s10, $0xb8;
	[tilespmem:$0xC880] =	vst v63  }
0x54: {  	s14 =	simm.s32 $0x1000;
	s15 =	simm.s32 $0x7400  }
0x55: {  	[tilespmem:s15], [sflag:$0x1] =	stream.indirect.gather [hbm4b:s3+s10], $0x1, s14, s10, $0xb8;
	[tilespmem:$0xC880] =	vst v63  }
0x56: {  	s14 =	simm.s32 $0x1080;
	s15 =	simm.s32 $0x7480  }
0x57: {  	[tilespmem:s15], [sflag:$0x1] =	stream.indirect.gather [hbm4b:s3+s10], $0x1, s14, s10, $0xb8;
	[tilespmem:$0xC880] =	vst v63  }
0x58: {  	s14 =	simm.s32 $0x1100;
	s15 =	simm.s32 $0x7500  }
0x59: {  	[tilespmem:s15], [sflag:$0x1] =	stream.indirect.gather [hbm4b:s3+s10], $0x1, s14, s10, $0xb8;
	[tilespmem:$0xC880] =	vst v63  }
0x5a: {  	s14 =	simm.s32 $0x1180;
	s15 =	simm.s32 $0x7580  }
0x5b: {  	[tilespmem:s15], [sflag:$0x1] =	stream.indirect.gather [hbm4b:s3+s10], $0x1, s14, s10, $0xb8;
	[tilespmem:$0xC880] =	vst v63  }
0x5c: {  	s14 =	simm.s32 $0x1200;
	s15 =	simm.s32 $0x7600  }
0x5d: {  	[tilespmem:s15], [sflag:$0x1] =	stream.indirect.gather [hbm4b:s3+s10], $0x1, s14, s10, $0xb8;
	[tilespmem:$0xC880] =	vst v63  }
0x5e: {  	s14 =	simm.s32 $0x1280;
	s15 =	simm.s32 $0x7680  }
0x5f: {  	[tilespmem:s15], [sflag:$0x1] =	stream.indirect.gather [hbm4b:s3+s10], $0x1, s14, s10, $0xb8;
	[tilespmem:$0xC880] =	vst v63  }
0x60: {  	s14 =	simm.s32 $0x1300;
	s15 =	simm.s32 $0x7700  }
0x61: {  	[tilespmem:s15], [sflag:$0x1] =	stream.indirect.gather [hbm4b:s3+s10], $0x1, s14, s10, $0xb8;
	[tilespmem:$0xC880] =	vst v63  }
0x62: {  	s14 =	simm.s32 $0x1380;
	s15 =	simm.s32 $0x7780  }
0x63: {  	[tilespmem:s15], [sflag:$0x1] =	stream.indirect.gather [hbm4b:s3+s10], $0x1, s14, s10, $0xb8;
	[tilespmem:$0xC880] =	vst v63  }
0x64: {  	s14 =	simm.s32 $0x1400;
	s15 =	simm.s32 $0x7800  }
0x65: {  	[tilespmem:s15], [sflag:$0x1] =	stream.indirect.gather [hbm4b:s3+s10], $0x1, s14, s10, $0xb8;
	[tilespmem:$0xC880] =	vst v63  }
0x66: {  	s14 =	simm.s32 $0x1480;
	s15 =	simm.s32 $0x7880  }
0x67: {  	[tilespmem:s15], [sflag:$0x1] =	stream.indirect.gather [hbm4b:s3+s10], $0x1, s14, s10, $0xb8;
	[tilespmem:$0xC880] =	vst v63  }
0x68: {  	s14 =	simm.s32 $0x1500;
	s15 =	simm.s32 $0x7900  }
0x69: {  	[tilespmem:s15], [sflag:$0x1] =	stream.indirect.gather [hbm4b:s3+s10], $0x1, s14, s10, $0xb8;
	[tilespmem:$0xC880] =	vst v63  }
0x6a: {  	s14 =	simm.s32 $0x1580;
	s15 =	simm.s32 $0x7980  }
0x6b: {  	[tilespmem:s15], [sflag:$0x1] =	stream.indirect.gather [hbm4b:s3+s10], $0x1, s14, s10, $0xb8;
	[tilespmem:$0xC880] =	vst v63  }
0x6c: {  	s14 =	simm.s32 $0x1600;
	s15 =	simm.s32 $0x7A00  }
0x6d: {  	[tilespmem:s15], [sflag:$0x1] =	stream.indirect.gather [hbm4b:s3+s10], $0x1, s14, s10, $0xb8;
	[tilespmem:$0xC880] =	vst v63  }
0x6e: {  	s14 =	simm.s32 $0x1680;
	s15 =	simm.s32 $0x7A80  }
0x6f: {  	[tilespmem:s15], [sflag:$0x1] =	stream.indirect.gather [hbm4b:s3+s10], $0x1, s14, s10, $0xb8;
	[tilespmem:$0xC880] =	vst v63  }
0x70: {  	s14 =	simm.s32 $0x1700;
	s15 =	simm.s32 $0x7B00  }
0x71: {  	[tilespmem:s15], [sflag:$0x1] =	stream.indirect.gather [hbm4b:s3+s10], $0x1, s14, s10, $0xb8;
	[tilespmem:$0xC880] =	vst v63  }
0x72: {  	s14 =	simm.s32 $0x1780;
	s15 =	simm.s32 $0x7B80  }
0x73: {  	[tilespmem:s15], [sflag:$0x1] =	stream.indirect.gather [hbm4b:s3+s10], $0x1, s14, s10, $0xb8;
	[tilespmem:$0xC880] =	vst v63  }
0x74: {  	s14 =	simm.s32 $0x1800;
	s15 =	simm.s32 $0x7C00  }
0x75: {  	[tilespmem:s15], [sflag:$0x1] =	stream.indirect.gather [hbm4b:s3+s10], $0x1, s14, s10, $0xb8;
	[tilespmem:$0xC880] =	vst v63  }
0x76: {  	s14 =	simm.s32 $0x1880;
	s15 =	simm.s32 $0x7C80  }
0x77: {  	[tilespmem:s15], [sflag:$0x1] =	stream.indirect.gather [hbm4b:s3+s10], $0x1, s14, s10, $0xb8;
	[tilespmem:$0xC880] =	vst v63  }
0x78: {  	s14 =	simm.s32 $0x1900;
	s15 =	simm.s32 $0x7D00  }
0x79: {  	[tilespmem:s15], [sflag:$0x1] =	stream.indirect.gather [hbm4b:s3+s10], $0x1, s14, s10, $0xb8;
	[tilespmem:$0xC880] =	vst v63  }
0x7a: {  	s14 =	simm.s32 $0x1980;
	s15 =	simm.s32 $0x7D80  }
0x7b: {  	[tilespmem:s15], [sflag:$0x1] =	stream.indirect.gather [hbm4b:s3+s10], $0x1, s14, s10, $0xb8;
	[tilespmem:$0xC880] =	vst v63  }
0x7c: {  	s14 =	simm.s32 $0x1A00;
	s15 =	simm.s32 $0x7E00  }
0x7d: {  	[tilespmem:s15], [sflag:$0x1] =	stream.indirect.gather [hbm4b:s3+s10], $0x1, s14, s10, $0xb8;
	[tilespmem:$0xC880] =	vst v63  }
0x7e: {  	s14 =	simm.s32 $0x1A80;
	s15 =	simm.s32 $0x7E80  }
0x7f: {  	[tilespmem:s15], [sflag:$0x1] =	stream.indirect.gather [hbm4b:s3+s10], $0x1, s14, s10, $0xb8;
	[tilespmem:$0xC880] =	vst v63  }
0x80: {  	s14 =	simm.s32 $0x1B00;
	s15 =	simm.s32 $0x7F00  }
0x81: {  	[tilespmem:s15], [sflag:$0x1] =	stream.indirect.gather [hbm4b:s3+s10], $0x1, s14, s10, $0xb8;
	[tilespmem:$0xC880] =	vst v63  }
0x82: {  	s14 =	simm.s32 $0x1B80;
	s15 =	simm.s32 $0x7F80  }
0x83: {  	[tilespmem:s15], [sflag:$0x1] =	stream.indirect.gather [hbm4b:s3+s10], $0x1, s14, s10, $0xb8;
	[tilespmem:$0xC880] =	vst v63  }
0x84: {  	s15 =	simm.s32 $0x1C00  }
0x85: {  	[tilespmem:s8], [sflag:$0x1] =	stream.indirect.gather [hbm4b:s3+s10], $0x1, s15, s10, $0xb8;
	[tilespmem:$0xC880] =	vst v63  }
0x86: {  	s14 =	simm.s32 $0x1C80;
	s15 =	simm.s32 $0x8080  }
0x87: {  	[tilespmem:s15], [sflag:$0x1] =	stream.indirect.gather [hbm4b:s3+s10], $0x1, s14, s10, $0xb8;
	[tilespmem:$0xC880] =	vst v63  }
0x88: {  	s14 =	simm.s32 $0x1D00;
	s15 =	simm.s32 $0x8100  }
0x89: {  	[tilespmem:s15], [sflag:$0x1] =	stream.indirect.gather [hbm4b:s3+s10], $0x1, s14, s10, $0xb8;
	[tilespmem:$0xC880] =	vst v63  }
0x8a: {  	s14 =	simm.s32 $0x1D80;
	s15 =	simm.s32 $0x8180  }
0x8b: {  	[tilespmem:s15], [sflag:$0x1] =	stream.indirect.gather [hbm4b:s3+s10], $0x1, s14, s10, $0xb8;
	[tilespmem:$0xC880] =	vst v63  }
0x8c: {  	s14 =	simm.s32 $0x1E00;
	s15 =	simm.s32 $0x8200  }
0x8d: {  	[tilespmem:s15], [sflag:$0x1] =	stream.indirect.gather [hbm4b:s3+s10], $0x1, s14, s10, $0xb8;
	[tilespmem:$0xC880] =	vst v63  }
0x8e: {  	s14 =	simm.s32 $0x1E80;
	s15 =	simm.s32 $0x8280  }
0x8f: {  	[tilespmem:s15], [sflag:$0x1] =	stream.indirect.gather [hbm4b:s3+s10], $0x1, s14, s10, $0xb8;
	[tilespmem:$0xC880] =	vst v63  }
0x90: {  	s14 =	simm.s32 $0x1F00;
	s15 =	simm.s32 $0x8300  }
0x91: {  	[tilespmem:s15], [sflag:$0x1] =	stream.indirect.gather [hbm4b:s3+s10], $0x1, s14, s10, $0xb8;
	[tilespmem:$0xC880] =	vst v63  }
0x92: {  	s14 =	simm.s32 $0x1F80;
	s15 =	simm.s32 $0x8380  }
0x93: {  	[tilespmem:s15], [sflag:$0x1] =	stream.indirect.gather [hbm4b:s3+s10], $0x1, s14, s10, $0xb8;
	[tilespmem:$0xC880] =	vst v63  }
0x94: {  	s14 =	simm.s32 $0x2000;
	s15 =	simm.s32 $0x8400  }
0x95: {  	[tilespmem:s15], [sflag:$0x1] =	stream.indirect.gather [hbm4b:s3+s10], $0x1, s14, s10, $0xb8;
	[tilespmem:$0xC880] =	vst v63  }
0x96: {  	s14 =	simm.s32 $0x2080;
	s15 =	simm.s32 $0x8480  }
0x97: {  	[tilespmem:s15], [sflag:$0x1] =	stream.indirect.gather [hbm4b:s3+s10], $0x1, s14, s10, $0xb8;
	[tilespmem:$0xC880] =	vst v63  }
0x98: {  	s14 =	simm.s32 $0x2100;
	s15 =	simm.s32 $0x8500  }
0x99: {  	[tilespmem:s15], [sflag:$0x1] =	stream.indirect.gather [hbm4b:s3+s10], $0x1, s14, s10, $0xb8;
	[tilespmem:$0xC880] =	vst v63  }
0x9a: {  	s14 =	simm.s32 $0x2180;
	s15 =	simm.s32 $0x8580  }
0x9b: {  	[tilespmem:s15], [sflag:$0x1] =	stream.indirect.gather [hbm4b:s3+s10], $0x1, s14, s10, $0xb8;
	[tilespmem:$0xC880] =	vst v63  }
0x9c: {  	s14 =	simm.s32 $0x2200;
	s15 =	simm.s32 $0x8600  }
0x9d: {  	[tilespmem:s15], [sflag:$0x1] =	stream.indirect.gather [hbm4b:s3+s10], $0x1, s14, s10, $0xb8;
	[tilespmem:$0xC880] =	vst v63  }
0x9e: {  	s14 =	simm.s32 $0x2280;
	s15 =	simm.s32 $0x8680  }
0x9f: {  	[tilespmem:s15], [sflag:$0x1] =	stream.indirect.gather [hbm4b:s3+s10], $0x1, s14, s10, $0xb8;
	[tilespmem:$0xC880] =	vst v63  }
0xa0: {  	s14 =	simm.s32 $0x2300;
	s15 =	simm.s32 $0x8700  }
0xa1: {  	[tilespmem:s15], [sflag:$0x1] =	stream.indirect.gather [hbm4b:s3+s10], $0x1, s14, s10, $0xb8;
	[tilespmem:$0xC880] =	vst v63  }
0xa2: {  	s14 =	simm.s32 $0x2380;
	s15 =	simm.s32 $0x8780  }
0xa3: {  	[tilespmem:s15], [sflag:$0x1] =	stream.indirect.gather [hbm4b:s3+s10], $0x1, s14, s10, $0xb8;
	[tilespmem:$0xC880] =	vst v63  }
0xa4: {  	s14 =	simm.s32 $0x2400;
	s15 =	simm.s32 $0x8800  }
0xa5: {  	[tilespmem:s15], [sflag:$0x1] =	stream.indirect.gather [hbm4b:s3+s10], $0x1, s14, s10, $0xb8;
	[tilespmem:$0xC880] =	vst v63  }
0xa6: {  	s14 =	simm.s32 $0x2480;
	s15 =	simm.s32 $0x8880  }
0xa7: {  	[tilespmem:s15], [sflag:$0x1] =	stream.indirect.gather [hbm4b:s3+s10], $0x1, s14, s10, $0xb8;
	[tilespmem:$0xC880] =	vst v63  }
0xa8: {  	s14 =	simm.s32 $0x2500;
	s15 =	simm.s32 $0x8900  }
0xa9: {  	[tilespmem:s15], [sflag:$0x1] =	stream.indirect.gather [hbm4b:s3+s10], $0x1, s14, s10, $0xb8;
	[tilespmem:$0xC880] =	vst v63  }
0xaa: {  	s14 =	simm.s32 $0x2580;
	s15 =	simm.s32 $0x8980  }
0xab: {  	[tilespmem:s15], [sflag:$0x1] =	stream.indirect.gather [hbm4b:s3+s10], $0x1, s14, s10, $0xb8;
	[tilespmem:$0xC880] =	vst v63  }
0xac: {  	s14 =	simm.s32 $0x2600;
	s15 =	simm.s32 $0x8A00  }
0xad: {  	[tilespmem:s15], [sflag:$0x1] =	stream.indirect.gather [hbm4b:s3+s10], $0x1, s14, s10, $0xb8;
	[tilespmem:$0xC880] =	vst v63  }
0xae: {  	s14 =	simm.s32 $0x2680;
	s15 =	simm.s32 $0x8A80  }
0xaf: {  	[tilespmem:s15], [sflag:$0x1] =	stream.indirect.gather [hbm4b:s3+s10], $0x1, s14, s10, $0xb8;
	[tilespmem:$0xC880] =	vst v63  }
0xb0: {  	s14 =	simm.s32 $0x2700;
	s15 =	simm.s32 $0x8B00  }
0xb1: {  	[tilespmem:s15], [sflag:$0x1] =	stream.indirect.gather [hbm4b:s3+s10], $0x1, s14, s10, $0xb8;
	[tilespmem:$0xC880] =	vst v63  }
0xb2: {  	s14 =	simm.s32 $0x2780;
	s15 =	simm.s32 $0x8B80  }
0xb3: {  	[tilespmem:s15], [sflag:$0x1] =	stream.indirect.gather [hbm4b:s3+s10], $0x1, s14, s10, $0xb8;
	[tilespmem:$0xC880] =	vst v63  }
0xb4: {  	s14 =	simm.s32 $0x2800;
	s15 =	simm.s32 $0x8C00  }
0xb5: {  	[tilespmem:s15], [sflag:$0x1] =	stream.indirect.gather [hbm4b:s3+s10], $0x1, s14, s10, $0xb8;
	[tilespmem:$0xC880] =	vst v63  }
0xb6: {  	s14 =	simm.s32 $0x2880;
	s15 =	simm.s32 $0x8C80  }
0xb7: {  	[tilespmem:s15], [sflag:$0x1] =	stream.indirect.gather [hbm4b:s3+s10], $0x1, s14, s10, $0xb8;
	[tilespmem:$0xC880] =	vst v63  }
0xb8: {  	s14 =	simm.s32 $0x2900;
	s15 =	simm.s32 $0x8D00  }
0xb9: {  	[tilespmem:s15], [sflag:$0x1] =	stream.indirect.gather [hbm4b:s3+s10], $0x1, s14, s10, $0xb8;
	[tilespmem:$0xC880] =	vst v63  }
0xba: {  	s14 =	simm.s32 $0x2980;
	s15 =	simm.s32 $0x8D80  }
0xbb: {  	[tilespmem:s15], [sflag:$0x1] =	stream.indirect.gather [hbm4b:s3+s10], $0x1, s14, s10, $0xb8;
	[tilespmem:$0xC880] =	vst v63  }
0xbc: {  	s14 =	simm.s32 $0x2A00;
	s15 =	simm.s32 $0x8E00  }
0xbd: {  	[tilespmem:s15], [sflag:$0x1] =	stream.indirect.gather [hbm4b:s3+s10], $0x1, s14, s10, $0xb8;
	[tilespmem:$0xC880] =	vst v63  }
0xbe: {  	s14 =	simm.s32 $0x2A80;
	s15 =	simm.s32 $0x8E80  }
0xbf: {  	[tilespmem:s15], [sflag:$0x1] =	stream.indirect.gather [hbm4b:s3+s10], $0x1, s14, s10, $0xb8;
	[tilespmem:$0xC880] =	vst v63  }
0xc0: {  	s14 =	simm.s32 $0x2B00;
	s15 =	simm.s32 $0x8F00  }
0xc1: {  	[tilespmem:s15], [sflag:$0x1] =	stream.indirect.gather [hbm4b:s3+s10], $0x1, s14, s10, $0xb8;
	[tilespmem:$0xC880] =	vst v63  }
0xc2: {  	s14 =	simm.s32 $0x2B80;
	s15 =	simm.s32 $0x8F80  }
0xc3: {  	[tilespmem:s15], [sflag:$0x1] =	stream.indirect.gather [hbm4b:s3+s10], $0x1, s14, s10, $0xb8;
	[tilespmem:$0xC880] =	vst v63  }
0xc4: {  	s14 =	simm.s32 $0x2C00;
	s15 =	simm.s32 $0x9000  }
0xc5: {  	[tilespmem:s15], [sflag:$0x1] =	stream.indirect.gather [hbm4b:s3+s10], $0x1, s14, s10, $0xb8;
	[tilespmem:$0xC880] =	vst v63  }
0xc6: {  	s14 =	simm.s32 $0x2C80;
	s15 =	simm.s32 $0x9080  }
0xc7: {  	[tilespmem:s15], [sflag:$0x1] =	stream.indirect.gather [hbm4b:s3+s10], $0x1, s14, s10, $0xb8;
	[tilespmem:$0xC880] =	vst v63  }
0xc8: {  	s14 =	simm.s32 $0x2D00;
	s15 =	simm.s32 $0x9100  }
0xc9: {  	[tilespmem:s15], [sflag:$0x1] =	stream.indirect.gather [hbm4b:s3+s10], $0x1, s14, s10, $0xb8;
	[tilespmem:$0xC880] =	vst v63  }
0xca: {  	s14 =	simm.s32 $0x2D80;
	s15 =	simm.s32 $0x9180  }
0xcb: {  	[tilespmem:s15], [sflag:$0x1] =	stream.indirect.gather [hbm4b:s3+s10], $0x1, s14, s10, $0xb8;
	[tilespmem:$0xC880] =	vst v63  }
0xcc: {  	s14 =	simm.s32 $0x2E00;
	s15 =	simm.s32 $0x9200  }
0xcd: {  	[tilespmem:s15], [sflag:$0x1] =	stream.indirect.gather [hbm4b:s3+s10], $0x1, s14, s10, $0xb8;
	[tilespmem:$0xC880] =	vst v63  }
0xce: {  	s14 =	simm.s32 $0x2E80;
	s15 =	simm.s32 $0x9280  }
0xcf: {  	[tilespmem:s15], [sflag:$0x1] =	stream.indirect.gather [hbm4b:s3+s10], $0x1, s14, s10, $0xb8;
	[tilespmem:$0xC880] =	vst v63  }
0xd0: {  	s14 =	simm.s32 $0x2F00;
	s15 =	simm.s32 $0x9300  }
0xd1: {  	[tilespmem:s15], [sflag:$0x1] =	stream.indirect.gather [hbm4b:s3+s10], $0x1, s14, s10, $0xb8;
	[tilespmem:$0xC880] =	vst v63  }
0xd2: {  	s14 =	simm.s32 $0x2F80;
	s15 =	simm.s32 $0x9380  }
0xd3: {  	[tilespmem:s15], [sflag:$0x1] =	stream.indirect.gather [hbm4b:s3+s10], $0x1, s14, s10, $0xb8;
	[tilespmem:$0xC880] =	vst v63  }
0xd4: {  	s14 =	simm.s32 $0x3000;
	s15 =	simm.s32 $0x9400  }
0xd5: {  	[tilespmem:s15], [sflag:$0x1] =	stream.indirect.gather [hbm4b:s3+s10], $0x1, s14, s10, $0xb8;
	[tilespmem:$0xC880] =	vst v63  }
0xd6: {  	s14 =	simm.s32 $0x3080;
	s15 =	simm.s32 $0x9480  }
0xd7: {  	[tilespmem:s15], [sflag:$0x1] =	stream.indirect.gather [hbm4b:s3+s10], $0x1, s14, s10, $0xb8;
	[tilespmem:$0xC880] =	vst v63  }
0xd8: {  	s14 =	simm.s32 $0x3100;
	s15 =	simm.s32 $0x9500  }
0xd9: {  	[tilespmem:s15], [sflag:$0x1] =	stream.indirect.gather [hbm4b:s3+s10], $0x1, s14, s10, $0xb8;
	[tilespmem:$0xC880] =	vst v63  }
0xda: {  	s14 =	simm.s32 $0x3180;
	s15 =	simm.s32 $0x9580  }
0xdb: {  	[tilespmem:s15], [sflag:$0x1] =	stream.indirect.gather [hbm4b:s3+s10], $0x1, s14, s10, $0xb8;
	[tilespmem:$0xC880] =	vst v63  }
0xdc: {  	s14 =	simm.s32 $0x3200;
	s15 =	simm.s32 $0x9600  }
0xdd: {  	[tilespmem:s15], [sflag:$0x1] =	stream.indirect.gather [hbm4b:s3+s10], $0x1, s14, s10, $0xb8;
	[tilespmem:$0xC880] =	vst v63  }
0xde: {  	s14 =	simm.s32 $0x3280;
	s15 =	simm.s32 $0x9680  }
0xdf: {  	[tilespmem:s15], [sflag:$0x1] =	stream.indirect.gather [hbm4b:s3+s10], $0x1, s14, s10, $0xb8;
	[tilespmem:$0xC880] =	vst v63  }
0xe0: {  	s14 =	simm.s32 $0x3300;
	s15 =	simm.s32 $0x9700  }
0xe1: {  	[tilespmem:s15], [sflag:$0x1] =	stream.indirect.gather [hbm4b:s3+s10], $0x1, s14, s10, $0xb8;
	[tilespmem:$0xC880] =	vst v63  }
0xe2: {  	s14 =	simm.s32 $0x3380;
	s15 =	simm.s32 $0x9780  }
0xe3: {  	[tilespmem:s15], [sflag:$0x1] =	stream.indirect.gather [hbm4b:s3+s10], $0x1, s14, s10, $0xb8;
	[tilespmem:$0xC880] =	vst v63  }
0xe4: {  	s14 =	simm.s32 $0x3400;
	s15 =	simm.s32 $0x9800  }
0xe5: {  	[tilespmem:s15], [sflag:$0x1] =	stream.indirect.gather [hbm4b:s3+s10], $0x1, s14, s10, $0xb8;
	[tilespmem:$0xC880] =	vst v63  }
0xe6: {  	s14 =	simm.s32 $0x3480;
	s15 =	simm.s32 $0x9880  }
0xe7: {  	[tilespmem:s15], [sflag:$0x1] =	stream.indirect.gather [hbm4b:s3+s10], $0x1, s14, s10, $0xb8;
	[tilespmem:$0xC880] =	vst v63  }
0xe8: {  	s14 =	simm.s32 $0x3500;
	s15 =	simm.s32 $0x9900  }
0xe9: {  	[tilespmem:s15], [sflag:$0x1] =	stream.indirect.gather [hbm4b:s3+s10], $0x1, s14, s10, $0xb8;
	[tilespmem:$0xC880] =	vst v63  }
0xea: {  	s14 =	simm.s32 $0x3580;
	s15 =	simm.s32 $0x9980  }
0xeb: {  	[tilespmem:s15], [sflag:$0x1] =	stream.indirect.gather [hbm4b:s3+s10], $0x1, s14, s10, $0xb8;
	[tilespmem:$0xC880] =	vst v63  }
0xec: {  	s14 =	simm.s32 $0x3600;
	s15 =	simm.s32 $0x9A00  }
0xed: {  	[tilespmem:s15], [sflag:$0x1] =	stream.indirect.gather [hbm4b:s3+s10], $0x1, s14, s10, $0xb8;
	[tilespmem:$0xC880] =	vst v63  }
0xee: {  	s14 =	simm.s32 $0x3680;
	s15 =	simm.s32 $0x9A80  }
0xef: {  	[tilespmem:s15], [sflag:$0x1] =	stream.indirect.gather [hbm4b:s3+s10], $0x1, s14, s10, $0xb8;
	[tilespmem:$0xC880] =	vst v63  }
0xf0: {  	s14 =	simm.s32 $0x3700;
	s15 =	simm.s32 $0x9B00  }
0xf1: {  	[tilespmem:s15], [sflag:$0x1] =	stream.indirect.gather [hbm4b:s3+s10], $0x1, s14, s10, $0xb8;
	[tilespmem:$0xC880] =	vst v63  }
0xf2: {  	s14 =	simm.s32 $0x3780;
	s15 =	simm.s32 $0x9B80  }
0xf3: {  	[tilespmem:s15], [sflag:$0x1] =	stream.indirect.gather [hbm4b:s3+s10], $0x1, s14, s10, $0xb8;
	[tilespmem:$0xC880] =	vst v63  }
0xf4: {  	s14 =	simm.s32 $0x3800;
	s15 =	simm.s32 $0x9C00  }
0xf5: {  	[tilespmem:s15], [sflag:$0x1] =	stream.indirect.gather [hbm4b:s3+s10], $0x1, s14, s10, $0xb8;
	[tilespmem:$0xC880] =	vst v63  }
0xf6: {  	s14 =	simm.s32 $0x3880;
	s15 =	simm.s32 $0x9C80  }
0xf7: {  	[tilespmem:s15], [sflag:$0x1] =	stream.indirect.gather [hbm4b:s3+s10], $0x1, s14, s10, $0xb8;
	[tilespmem:$0xC880] =	vst v63  }
0xf8: {  	s14 =	simm.s32 $0x3900;
	s15 =	simm.s32 $0x9D00  }
0xf9: {  	[tilespmem:s15], [sflag:$0x1] =	stream.indirect.gather [hbm4b:s3+s10], $0x1, s14, s10, $0xb8;
	[tilespmem:$0xC880] =	vst v63  }
0xfa: {  	s14 =	simm.s32 $0x3980;
	s15 =	simm.s32 $0x9D80  }
0xfb: {  	[tilespmem:s15], [sflag:$0x1] =	stream.indirect.gather [hbm4b:s3+s10], $0x1, s14, s10, $0xb8;
	[tilespmem:$0xC880] =	vst v63  }
0xfc: {  	s14 =	simm.s32 $0x3A00;
	s15 =	simm.s32 $0x9E00  }
0xfd: {  	[tilespmem:s15], [sflag:$0x1] =	stream.indirect.gather [hbm4b:s3+s10], $0x1, s14, s10, $0xb8;
	[tilespmem:$0xC880] =	vst v63  }
0xfe: {  	s14 =	simm.s32 $0x3A80;
	s15 =	simm.s32 $0x9E80  }
0xff: {  	[tilespmem:s15], [sflag:$0x1] =	stream.indirect.gather [hbm4b:s3+s10], $0x1, s14, s10, $0xb8;
	[tilespmem:$0xC880] =	vst v63  }
0x100: {  	s14 =	simm.s32 $0x3B00;
	s15 =	simm.s32 $0x9F00  }
0x101: {  	[tilespmem:s15], [sflag:$0x1] =	stream.indirect.gather [hbm4b:s3+s10], $0x1, s14, s10, $0xb8;
	[tilespmem:$0xC880] =	vst v63  }
0x102: {  	s14 =	simm.s32 $0x3B80;
	s15 =	simm.s32 $0x9F80  }
0x103: {  	[tilespmem:s15], [sflag:$0x1] =	stream.indirect.gather [hbm4b:s3+s10], $0x1, s14, s10, $0xb8;
	[tilespmem:$0xC880] =	vst v63  }
0x104: {  	s14 =	simm.s32 $0x3C00;
	s15 =	simm.s32 $0xA000  }
0x105: {  	[tilespmem:s15], [sflag:$0x1] =	stream.indirect.gather [hbm4b:s3+s10], $0x1, s14, s10, $0xb8;
	[tilespmem:$0xC880] =	vst v63  }
0x106: {  	s14 =	simm.s32 $0x3C80;
	s15 =	simm.s32 $0xA080  }
0x107: {  	[tilespmem:s15], [sflag:$0x1] =	stream.indirect.gather [hbm4b:s3+s10], $0x1, s14, s10, $0xb8;
	[tilespmem:$0xC880] =	vst v63  }
0x108: {  	s14 =	simm.s32 $0x3D00;
	s15 =	simm.s32 $0xA100  }
0x109: {  	[tilespmem:s15], [sflag:$0x1] =	stream.indirect.gather [hbm4b:s3+s10], $0x1, s14, s10, $0xb8;
	[tilespmem:$0xC880] =	vst v63  }
0x10a: {  	s14 =	simm.s32 $0x3D80;
	s15 =	simm.s32 $0xA180  }
0x10b: {  	[tilespmem:s15], [sflag:$0x1] =	stream.indirect.gather [hbm4b:s3+s10], $0x1, s14, s10, $0xb8;
	[tilespmem:$0xC880] =	vst v63  }
0x10c: {  	s14 =	simm.s32 $0x3E00;
	s15 =	simm.s32 $0xA200  }
0x10d: {  	[tilespmem:s15], [sflag:$0x1] =	stream.indirect.gather [hbm4b:s3+s10], $0x1, s14, s10, $0xb8;
	[tilespmem:$0xC880] =	vst v63  }
0x10e: {  	s14 =	simm.s32 $0x3E80;
	s15 =	simm.s32 $0xA280  }
0x10f: {  	[tilespmem:s15], [sflag:$0x1] =	stream.indirect.gather [hbm4b:s3+s10], $0x1, s14, s10, $0xb8;
	[tilespmem:$0xC880] =	vst v63  }
0x110: {  	s14 =	simm.s32 $0x3F00;
	s15 =	simm.s32 $0xA300  }
0x111: {  	[tilespmem:s15], [sflag:$0x1] =	stream.indirect.gather [hbm4b:s3+s10], $0x1, s14, s10, $0xb8;
	[tilespmem:$0xC880] =	vst v63  }
0x112: {  	s14 =	simm.s32 $0x3F80;
	s15 =	simm.s32 $0xA380  }
0x113: {  	[tilespmem:s15], [sflag:$0x1] =	stream.indirect.gather [hbm4b:s3+s10], $0x1, s14, s10, $0xb8;
	[tilespmem:$0xC880] =	vst v63  }
0x114: {  	s14 =	simm.s32 $0x4000;
	s15 =	simm.s32 $0xA400  }
0x115: {  	[tilespmem:s15], [sflag:$0x1] =	stream.indirect.gather [hbm4b:s3+s10], $0x1, s14, s10, $0xb8;
	[tilespmem:$0xC880] =	vst v63  }
0x116: {  	s14 =	simm.s32 $0x4080;
	s15 =	simm.s32 $0xA480  }
0x117: {  	[tilespmem:s15], [sflag:$0x1] =	stream.indirect.gather [hbm4b:s3+s10], $0x1, s14, s10, $0xb8;
	[tilespmem:$0xC880] =	vst v63  }
0x118: {  	s14 =	simm.s32 $0x4100;
	s15 =	simm.s32 $0xA500  }
0x119: {  	[tilespmem:s15], [sflag:$0x1] =	stream.indirect.gather [hbm4b:s3+s10], $0x1, s14, s10, $0xb8;
	[tilespmem:$0xC880] =	vst v63  }
0x11a: {  	s14 =	simm.s32 $0x4180;
	s15 =	simm.s32 $0xA580  }
0x11b: {  	[tilespmem:s15], [sflag:$0x1] =	stream.indirect.gather [hbm4b:s3+s10], $0x1, s14, s10, $0xb8;
	[tilespmem:$0xC880] =	vst v63  }
0x11c: {  	s14 =	simm.s32 $0x4200;
	s15 =	simm.s32 $0xA600  }
0x11d: {  	[tilespmem:s15], [sflag:$0x1] =	stream.indirect.gather [hbm4b:s3+s10], $0x1, s14, s10, $0xb8;
	[tilespmem:$0xC880] =	vst v63  }
0x11e: {  	s14 =	simm.s32 $0x4280;
	s15 =	simm.s32 $0xA680  }
0x11f: {  	[tilespmem:s15], [sflag:$0x1] =	stream.indirect.gather [hbm4b:s3+s10], $0x1, s14, s10, $0xb8;
	[tilespmem:$0xC880] =	vst v63  }
0x120: {  	s14 =	simm.s32 $0x4300;
	s15 =	simm.s32 $0xA700  }
0x121: {  	[tilespmem:s15], [sflag:$0x1] =	stream.indirect.gather [hbm4b:s3+s10], $0x1, s14, s10, $0xb8;
	[tilespmem:$0xC880] =	vst v63  }
0x122: {  	s14 =	simm.s32 $0x4380;
	s15 =	simm.s32 $0xA780  }
0x123: {  	[tilespmem:s15], [sflag:$0x1] =	stream.indirect.gather [hbm4b:s3+s10], $0x1, s14, s10, $0xb8;
	[tilespmem:$0xC880] =	vst v63  }
0x124: {  	s14 =	simm.s32 $0x4400;
	s15 =	simm.s32 $0xA800  }
0x125: {  	[tilespmem:s15], [sflag:$0x1] =	stream.indirect.gather [hbm4b:s3+s10], $0x1, s14, s10, $0xb8;
	[tilespmem:$0xC880] =	vst v63  }
0x126: {  	s14 =	simm.s32 $0x4480;
	s15 =	simm.s32 $0xA880  }
0x127: {  	[tilespmem:s15], [sflag:$0x1] =	stream.indirect.gather [hbm4b:s3+s10], $0x1, s14, s10, $0xb8;
	[tilespmem:$0xC880] =	vst v63  }
0x128: {  	s14 =	simm.s32 $0x4500;
	s15 =	simm.s32 $0xA900  }
0x129: {  	[tilespmem:s15], [sflag:$0x1] =	stream.indirect.gather [hbm4b:s3+s10], $0x1, s14, s10, $0xb8;
	[tilespmem:$0xC880] =	vst v63  }
0x12a: {  	s14 =	simm.s32 $0x4580;
	s15 =	simm.s32 $0xA980  }
0x12b: {  	[tilespmem:s15], [sflag:$0x1] =	stream.indirect.gather [hbm4b:s3+s10], $0x1, s14, s10, $0xb8;
	[tilespmem:$0xC880] =	vst v63  }
0x12c: {  	s14 =	simm.s32 $0x4600;
	s15 =	simm.s32 $0xAA00  }
0x12d: {  	[tilespmem:s15], [sflag:$0x1] =	stream.indirect.gather [hbm4b:s3+s10], $0x1, s14, s10, $0xb8;
	[tilespmem:$0xC880] =	vst v63  }
0x12e: {  	s14 =	simm.s32 $0x4680;
	s15 =	simm.s32 $0xAA80  }
0x12f: {  	[tilespmem:s15], [sflag:$0x1] =	stream.indirect.gather [hbm4b:s3+s10], $0x1, s14, s10, $0xb8;
	[tilespmem:$0xC880] =	vst v63  }
0x130: {  	s14 =	simm.s32 $0x4700;
	s15 =	simm.s32 $0xAB00  }
0x131: {  	[tilespmem:s15], [sflag:$0x1] =	stream.indirect.gather [hbm4b:s3+s10], $0x1, s14, s10, $0xb8;
	[tilespmem:$0xC880] =	vst v63  }
0x132: {  	s14 =	simm.s32 $0x4780;
	s15 =	simm.s32 $0xAB80  }
0x133: {  	[tilespmem:s15], [sflag:$0x1] =	stream.indirect.gather [hbm4b:s3+s10], $0x1, s14, s10, $0xb8;
	[tilespmem:$0xC880] =	vst v63  }
0x134: {  	s14 =	simm.s32 $0x4800;
	s15 =	simm.s32 $0xAC00  }
0x135: {  	[tilespmem:s15], [sflag:$0x1] =	stream.indirect.gather [hbm4b:s3+s10], $0x1, s14, s10, $0xb8;
	[tilespmem:$0xC880] =	vst v63  }
0x136: {  	s14 =	simm.s32 $0x4880;
	s15 =	simm.s32 $0xAC80  }
0x137: {  	[tilespmem:s15], [sflag:$0x1] =	stream.indirect.gather [hbm4b:s3+s10], $0x1, s14, s10, $0xb8;
	[tilespmem:$0xC880] =	vst v63  }
0x138: {  	s14 =	simm.s32 $0x4900;
	s15 =	simm.s32 $0xAD00  }
0x139: {  	[tilespmem:s15], [sflag:$0x1] =	stream.indirect.gather [hbm4b:s3+s10], $0x1, s14, s10, $0xb8;
	[tilespmem:$0xC880] =	vst v63  }
0x13a: {  	s14 =	simm.s32 $0x4980;
	s15 =	simm.s32 $0xAD80  }
0x13b: {  	[tilespmem:s15], [sflag:$0x1] =	stream.indirect.gather [hbm4b:s3+s10], $0x1, s14, s10, $0xb8;
	[tilespmem:$0xC880] =	vst v63  }
0x13c: {  	s14 =	simm.s32 $0x4A00;
	s15 =	simm.s32 $0xAE00  }
0x13d: {  	[tilespmem:s15], [sflag:$0x1] =	stream.indirect.gather [hbm4b:s3+s10], $0x1, s14, s10, $0xb8;
	[tilespmem:$0xC880] =	vst v63  }
0x13e: {  	s14 =	simm.s32 $0x4A80;
	s15 =	simm.s32 $0xAE80  }
0x13f: {  	[tilespmem:s15], [sflag:$0x1] =	stream.indirect.gather [hbm4b:s3+s10], $0x1, s14, s10, $0xb8;
	[tilespmem:$0xC880] =	vst v63  }
0x140: {  	s14 =	simm.s32 $0x4B00;
	s15 =	simm.s32 $0xAF00  }
0x141: {  	[tilespmem:s15], [sflag:$0x1] =	stream.indirect.gather [hbm4b:s3+s10], $0x1, s14, s10, $0xb8;
	[tilespmem:$0xC880] =	vst v63  }
0x142: {  	s14 =	simm.s32 $0x4B80;
	s15 =	simm.s32 $0xAF80  }
0x143: {  	[tilespmem:s15], [sflag:$0x1] =	stream.indirect.gather [hbm4b:s3+s10], $0x1, s14, s10, $0xb8;
	[tilespmem:$0xC880] =	vst v63  }
0x144: {  	s14 =	simm.s32 $0x4C00;
	s15 =	simm.s32 $0xB000  }
0x145: {  	[tilespmem:s15], [sflag:$0x1] =	stream.indirect.gather [hbm4b:s3+s10], $0x1, s14, s10, $0xb8;
	[tilespmem:$0xC880] =	vst v63  }
0x146: {  	s14 =	simm.s32 $0x4C80;
	s15 =	simm.s32 $0xB080  }
0x147: {  	[tilespmem:s15], [sflag:$0x1] =	stream.indirect.gather [hbm4b:s3+s10], $0x1, s14, s10, $0xb8;
	[tilespmem:$0xC880] =	vst v63  }
0x148: {  	s14 =	simm.s32 $0x4D00;
	s15 =	simm.s32 $0xB100  }
0x149: {  	[tilespmem:s15], [sflag:$0x1] =	stream.indirect.gather [hbm4b:s3+s10], $0x1, s14, s10, $0xb8;
	[tilespmem:$0xC880] =	vst v63  }
0x14a: {  	s14 =	simm.s32 $0x4D80;
	s15 =	simm.s32 $0xB180  }
0x14b: {  	[tilespmem:s15], [sflag:$0x1] =	stream.indirect.gather [hbm4b:s3+s10], $0x1, s14, s10, $0xb8;
	[tilespmem:$0xC880] =	vst v63  }
0x14c: {  	s14 =	simm.s32 $0x4E00;
	s15 =	simm.s32 $0xB200  }
0x14d: {  	[tilespmem:s15], [sflag:$0x1] =	stream.indirect.gather [hbm4b:s3+s10], $0x1, s14, s10, $0xb8;
	[tilespmem:$0xC880] =	vst v63  }
0x14e: {  	s14 =	simm.s32 $0x4E80;
	s15 =	simm.s32 $0xB280  }
0x14f: {  	[tilespmem:s15], [sflag:$0x1] =	stream.indirect.gather [hbm4b:s3+s10], $0x1, s14, s10, $0xb8;
	[tilespmem:$0xC880] =	vst v63  }
0x150: {  	s14 =	simm.s32 $0x4F00;
	s15 =	simm.s32 $0xB300  }
0x151: {  	[tilespmem:s15], [sflag:$0x1] =	stream.indirect.gather [hbm4b:s3+s10], $0x1, s14, s10, $0xb8;
	[tilespmem:$0xC880] =	vst v63  }
0x152: {  	s14 =	simm.s32 $0x4F80;
	s15 =	simm.s32 $0xB380  }
0x153: {  	[tilespmem:s15], [sflag:$0x1] =	stream.indirect.gather [hbm4b:s3+s10], $0x1, s14, s10, $0xb8;
	[tilespmem:$0xC880] =	vst v63  }
0x154: {  	s14 =	simm.s32 $0x5000;
	s15 =	simm.s32 $0xB400  }
0x155: {  	[tilespmem:s15], [sflag:$0x1] =	stream.indirect.gather [hbm4b:s3+s10], $0x1, s14, s10, $0xb8;
	[tilespmem:$0xC880] =	vst v63  }
0x156: {  	s14 =	simm.s32 $0x5080;
	s15 =	simm.s32 $0xB480  }
0x157: {  	[tilespmem:s15], [sflag:$0x1] =	stream.indirect.gather [hbm4b:s3+s10], $0x1, s14, s10, $0xb8;
	[tilespmem:$0xC880] =	vst v63  }
0x158: {  	s14 =	simm.s32 $0x5100;
	s15 =	simm.s32 $0xB500  }
0x159: {  	[tilespmem:s15], [sflag:$0x1] =	stream.indirect.gather [hbm4b:s3+s10], $0x1, s14, s10, $0xb8;
	[tilespmem:$0xC880] =	vst v63  }
0x15a: {  	s14 =	simm.s32 $0x5180;
	s15 =	simm.s32 $0xB580  }
0x15b: {  	[tilespmem:s15], [sflag:$0x1] =	stream.indirect.gather [hbm4b:s3+s10], $0x1, s14, s10, $0xb8;
	[tilespmem:$0xC880] =	vst v63  }
0x15c: {  	s14 =	simm.s32 $0x5200;
	s15 =	simm.s32 $0xB600  }
0x15d: {  	[tilespmem:s15], [sflag:$0x1] =	stream.indirect.gather [hbm4b:s3+s10], $0x1, s14, s10, $0xb8;
	[tilespmem:$0xC880] =	vst v63  }
0x15e: {  	s14 =	simm.s32 $0x5280;
	s15 =	simm.s32 $0xB680  }
0x15f: {  	[tilespmem:s15], [sflag:$0x1] =	stream.indirect.gather [hbm4b:s3+s10], $0x1, s14, s10, $0xb8;
	[tilespmem:$0xC880] =	vst v63  }
0x160: {  	s14 =	simm.s32 $0x5300;
	s15 =	simm.s32 $0xB700  }
0x161: {  	[tilespmem:s15], [sflag:$0x1] =	stream.indirect.gather [hbm4b:s3+s10], $0x1, s14, s10, $0xb8;
	[tilespmem:$0xC880] =	vst v63  }
0x162: {  	s14 =	simm.s32 $0x5380;
	s15 =	simm.s32 $0xB780  }
0x163: {  	[tilespmem:s15], [sflag:$0x1] =	stream.indirect.gather [hbm4b:s3+s10], $0x1, s14, s10, $0xb8;
	[tilespmem:$0xC880] =	vst v63  }
0x164: {  	s14 =	simm.s32 $0x5400;
	s15 =	simm.s32 $0xB800  }
0x165: {  	[tilespmem:s15], [sflag:$0x1] =	stream.indirect.gather [hbm4b:s3+s10], $0x1, s14, s10, $0xb8;
	[tilespmem:$0xC880] =	vst v63  }
0x166: {  	s14 =	simm.s32 $0x5480;
	s15 =	simm.s32 $0xB880  }
0x167: {  	[tilespmem:s15], [sflag:$0x1] =	stream.indirect.gather [hbm4b:s3+s10], $0x1, s14, s10, $0xb8;
	[tilespmem:$0xC880] =	vst v63  }
0x168: {  	s14 =	simm.s32 $0x5500;
	s15 =	simm.s32 $0xB900  }
0x169: {  	[tilespmem:s15], [sflag:$0x1] =	stream.indirect.gather [hbm4b:s3+s10], $0x1, s14, s10, $0xb8;
	[tilespmem:$0xC880] =	vst v63  }
0x16a: {  	s14 =	simm.s32 $0x5580;
	s15 =	simm.s32 $0xB980  }
0x16b: {  	[tilespmem:s15], [sflag:$0x1] =	stream.indirect.gather [hbm4b:s3+s10], $0x1, s14, s10, $0xb8;
	[tilespmem:$0xC880] =	vst v63  }
0x16c: {  	s14 =	simm.s32 $0x5600;
	s15 =	simm.s32 $0xBA00  }
0x16d: {  	[tilespmem:s15], [sflag:$0x1] =	stream.indirect.gather [hbm4b:s3+s10], $0x1, s14, s10, $0xb8;
	[tilespmem:$0xC880] =	vst v63  }
0x16e: {  	s14 =	simm.s32 $0x5680;
	s15 =	simm.s32 $0xBA80  }
0x16f: {  	[tilespmem:s15], [sflag:$0x1] =	stream.indirect.gather [hbm4b:s3+s10], $0x1, s14, s10, $0xb8;
	[tilespmem:$0xC880] =	vst v63  }
0x170: {  	s14 =	simm.s32 $0x5700;
	s15 =	simm.s32 $0xBB00  }
0x171: {  	[tilespmem:s15], [sflag:$0x1] =	stream.indirect.gather [hbm4b:s3+s10], $0x1, s14, s10, $0xb8;
	[tilespmem:$0xC880] =	vst v63  }
0x172: {  	s14 =	simm.s32 $0x5780;
	s15 =	simm.s32 $0xBB80  }
0x173: {  	[tilespmem:s15], [sflag:$0x1] =	stream.indirect.gather [hbm4b:s3+s10], $0x1, s14, s10, $0xb8;
	[tilespmem:$0xC880] =	vst v63  }
0x174: {  	s14 =	simm.s32 $0x5800;
	s15 =	simm.s32 $0xBC00  }
0x175: {  	[tilespmem:s15], [sflag:$0x1] =	stream.indirect.gather [hbm4b:s3+s10], $0x1, s14, s10, $0xb8;
	[tilespmem:$0xC880] =	vst v63  }
0x176: {  	s14 =	simm.s32 $0x5880;
	s15 =	simm.s32 $0xBC80  }
0x177: {  	[tilespmem:s15], [sflag:$0x1] =	stream.indirect.gather [hbm4b:s3+s10], $0x1, s14, s10, $0xb8;
	[tilespmem:$0xC880] =	vst v63  }
0x178: {  	s14 =	simm.s32 $0x5900;
	s15 =	simm.s32 $0xBD00  }
0x179: {  	[tilespmem:s15], [sflag:$0x1] =	stream.indirect.gather [hbm4b:s3+s10], $0x1, s14, s10, $0xb8;
	[tilespmem:$0xC880] =	vst v63  }
0x17a: {  	s14 =	simm.s32 $0x5980;
	s15 =	simm.s32 $0xBD80  }
0x17b: {  	[tilespmem:s15], [sflag:$0x1] =	stream.indirect.gather [hbm4b:s3+s10], $0x1, s14, s10, $0xb8;
	[tilespmem:$0xC880] =	vst v63  }
0x17c: {  	s14 =	simm.s32 $0x5A00;
	s15 =	simm.s32 $0xBE00  }
0x17d: {  	[tilespmem:s15], [sflag:$0x1] =	stream.indirect.gather [hbm4b:s3+s10], $0x1, s14, s10, $0xb8;
	[tilespmem:$0xC880] =	vst v63  }
0x17e: {  	s14 =	simm.s32 $0x5A80;
	s15 =	simm.s32 $0xBE80  }
0x17f: {  	[tilespmem:s15], [sflag:$0x1] =	stream.indirect.gather [hbm4b:s3+s10], $0x1, s14, s10, $0xb8;
	[tilespmem:$0xC880] =	vst v63  }
0x180: {  	s14 =	simm.s32 $0x5B00;
	s15 =	simm.s32 $0xBF00  }
0x181: {  	[tilespmem:s15], [sflag:$0x1] =	stream.indirect.gather [hbm4b:s3+s10], $0x1, s14, s10, $0xb8;
	[tilespmem:$0xC880] =	vst v63  }
0x182: {  	s14 =	simm.s32 $0x5B80;
	s15 =	simm.s32 $0xBF80  }
0x183: {  	[tilespmem:s15], [sflag:$0x1] =	stream.indirect.gather [hbm4b:s3+s10], $0x1, s14, s10, $0xb8;
	[tilespmem:$0xC880] =	vst v63  }
0x184: {  	s14 =	simm.s32 $0x5C00;
	s15 =	simm.s32 $0xC000  }
0x185: {  	[tilespmem:s15], [sflag:$0x1] =	stream.indirect.gather [hbm4b:s3+s10], $0x1, s14, s10, $0xb8;
	[tilespmem:$0xC880] =	vst v63  }
0x186: {  	s14 =	simm.s32 $0x5C80;
	s15 =	simm.s32 $0xC080  }
0x187: {  	[tilespmem:s15], [sflag:$0x1] =	stream.indirect.gather [hbm4b:s3+s10], $0x1, s14, s10, $0xb8;
	[tilespmem:$0xC880] =	vst v63  }
0x188: {  	s14 =	simm.s32 $0x5D00;
	s15 =	simm.s32 $0xC100  }
0x189: {  	[tilespmem:s15], [sflag:$0x1] =	stream.indirect.gather [hbm4b:s3+s10], $0x1, s14, s10, $0xb8;
	[tilespmem:$0xC880] =	vst v63  }
0x18a: {  	s14 =	simm.s32 $0x5D80;
	s15 =	simm.s32 $0xC180  }
0x18b: {  	[tilespmem:s15], [sflag:$0x1] =	stream.indirect.gather [hbm4b:s3+s10], $0x1, s14, s10, $0xb8;
	[tilespmem:$0xC880] =	vst v63  }
0x18c: {  	s14 =	simm.s32 $0x5E00;
	s15 =	simm.s32 $0xC200  }
0x18d: {  	[tilespmem:s15], [sflag:$0x1] =	stream.indirect.gather [hbm4b:s3+s10], $0x1, s14, s10, $0xb8;
	[tilespmem:$0xC880] =	vst v63  }
0x18e: {  	s14 =	simm.s32 $0x5E80;
	s15 =	simm.s32 $0xC280  }
0x18f: {  	[tilespmem:s15], [sflag:$0x1] =	stream.indirect.gather [hbm4b:s3+s10], $0x1, s14, s10, $0xb8;
	[tilespmem:$0xC880] =	vst v63  }
0x190: {  	s14 =	simm.s32 $0x5F00;
	s15 =	simm.s32 $0xC300  }
0x191: {  	[tilespmem:s15], [sflag:$0x1] =	stream.indirect.gather [hbm4b:s3+s10], $0x1, s14, s10, $0xb8;
	[tilespmem:$0xC880] =	vst v63  }
0x192: {  	s14 =	simm.s32 $0x5F80;
	s15 =	simm.s32 $0xC380  }
0x193: {  	[tilespmem:s15], [sflag:$0x1] =	stream.indirect.gather [hbm4b:s3+s10], $0x1, s14, s10, $0xb8;
	[tilespmem:$0xC880] =	vst v63  }
0x194: {  	_ = 	snop  }
0x195: {  	[tilespmem:s17], [sflag:$0x1] =	stream.indirect.gather [hbm4b:s3+s10], $0x1, s16, s10, $0xb8;
	[tilespmem:$0xC880] =	vst v63  }
0x196: {  	_ = 	snop  }
0x197: {  	[tilespmem:s19], [sflag:$0x1] =	stream.indirect.gather [hbm4b:s3+s10], $0x1, s18, s10, $0xb8;
	[tilespmem:$0xC880] =	vst v63  }
0x198: {  	_ = 	snop  }
0x199: {  	[tilespmem:s21], [sflag:$0x1] =	stream.indirect.gather [hbm4b:s3+s10], $0x1, s20, s10, $0xb8;
	[tilespmem:$0xC880] =	vst v63  }
0x19a: {  	_ = 	snop  }
0x19b: {  	[tilespmem:s23], [sflag:$0x1] =	stream.indirect.gather [hbm4b:s3+s10], $0x1, s22, s10, $0xb8;
	[tilespmem:$0xC880] =	vst v63  }
0x19c: {  	_ = 	snop  }
0x19d: {  	[tilespmem:s25], [sflag:$0x1] =	stream.indirect.gather [hbm4b:s3+s10], $0x1, s24, s10, $0xb8;
	[tilespmem:$0xC880] =	vst v63  }
0x19e: {  	_ = 	snop  }
0x19f: {  	[tilespmem:s28], [sflag:$0x1] =	stream.indirect.gather [hbm4b:s3+s10], $0x1, s26, s10, $0xb8;
	[tilespmem:$0xC880] =	vst v63  }
0x1a0: {  	_ = 	snop  }
0x1a1: {  	[tilespmem:s30], [sflag:$0x1] =	stream.indirect.gather [hbm4b:s3+s10], $0x1, s29, s10, $0xb8;
	[tilespmem:$0xC880] =	vst v63  }
0x1a2: {  	_ = 	snop  }
0x1a3: {  	[tilespmem:s0], [sflag:$0x1] =	stream.indirect.gather [hbm4b:s3+s10], $0x1, s31, s10, $0xb8;
	[tilespmem:$0xC880] =	vst v63  }
0x1a4: {  	_ =	swait.ge [sflag:s1], $0x6400  }
0x1a5: {  	[sflag:s1] =	ssyncset.done $0x0  }
0x1a6: {  	[sflag:s1] =	ssyncadd.s32 $0xFFFF9C00  }
0x1a7: {  	v0 =	vld [tilespmem:s13+$0xFFFFFE00];
	_ =	sdelay $0x1  }
0x1a8: {  	v1 =	vld [tilespmem:s13+$0xFFFFFE80];
	_ =	sdelay $0x1  }
0x1a9: {  	v2 =	vimm.f32 $0.0e+00;
	v3 =	vld [tilespmem:s13+$0xFFFFFF00]  }
0x1aa: {  	v0 =	vadd.f32 v0, v2  }
0x1ab: {  	v2 =	vld [tilespmem:s13+$0xFFFFFF80]  }
0x1ac: {  	v0 =	vadd.f32 v1, v0  }
0x1ad: {  	v1 =	vld [tilespmem:s13+$0x0]  }
0x1ae: {  	v0 =	vadd.f32 v3, v0;
	_ =	sdelay $0x1  }
0x1af: {  	v3 =	vld [tilespmem:s13+$0x80];
	v0 =	vadd.f32 v2, v0;
	_ =	sdelay $0x1  }
0x1b0: {  	v2 =	vadd.f32 v1, v0;
	v0 =	vld [tilespmem:s13+$0x100];
	_ =	sdelay $0x1  }
0x1b1: {  	v1 =	vld [tilespmem:s13+$0x180]  }
0x1b2: {  	s14 =	simm.s32 $0x0;
	s13 =	simm.s32 $0x6A00;
	v2 =	vadd.f32 v3, v2  }
.LBB2_2:
0x1b3: {  	v3 =	vld [tilespmem:s13+$0xFFFFFE00];
	s14 =	sadd.s32 $0x8, s14  }
0x1b4: {  	p0 =	slt.u32 s14, $0xC0;
	v0 =	vadd.f32 v0, v2  }
0x1b5: {  	v2 =	vld [tilespmem:s13+$0xFFFFFE80]  }
0x1b6: {  	v0 =	vadd.f32 v1, v0  }
0x1b7: {  	v1 =	vld [tilespmem:s13+$0xFFFFFF00]  }
0x1b8: {  	v0 =	vadd.f32 v3, v0  }
0x1b9: {  	v3 =	vld [tilespmem:s13+$0xFFFFFF80]  }
0x1ba: {  	v0 =	vadd.f32 v2, v0  }
0x1bb: {  	v2 =	vld [tilespmem:s13+$0x0]  }
0x1bc: {  	v0 =	vadd.f32 v1, v0  }
0x1bd: {  	v4 =	vld [tilespmem:s13+$0x80]  }
.Ltmp0:
0x1be: {  	v1 =	vadd.f32 v3, v0;
	(pc) =	sbr.rel @p0 .LBB2_2-.Ltmp0, $4  }
0x1bf: {  	v0 =	vld [tilespmem:s13+$0x100]  }
0x1c0: {  	v2 =	vadd.f32 v2, v1  }
0x1c1: {  	v1 =	vld [tilespmem:s13+$0x180]  }
0x1c2: {  	s13 =	sadd.s32 $0x400, s13;
	v2 =	vadd.f32 v4, v2  }
0x1c3: {  	_ = 	snop  }
0x1c4: {  	v0 =	vadd.f32 v0, v2;
	_ =	sdelay $0x1  }
0x1c5: {  	v0 =	vadd.f32 v1, v0;
	_ =	sdelay $0x1  }
0x1c6: {  	s14 =	simm.s32 $0x6610;
	[tilespmem:$0xC800] =	vst v0  }
0x1c7: {  	v0 =	vld [tilespmem:s14+$0xFFFFFE00];
	_ =	sdelay $0x1  }
0x1c8: {  	v1 =	vld [tilespmem:s14+$0xFFFFFE80];
	_ =	sdelay $0x1  }
0x1c9: {  	v2 =	vimm.f32 $0.0e+00;
	v3 =	vld [tilespmem:s14+$0xFFFFFF00]  }
0x1ca: {  	v0 =	vadd.f32 v0, v2  }
0x1cb: {  	v2 =	vld [tilespmem:s14+$0xFFFFFF80]  }
0x1cc: {  	v0 =	vadd.f32 v1, v0  }
0x1cd: {  	v1 =	vld [tilespmem:s14+$0x0]  }
0x1ce: {  	v0 =	vadd.f32 v3, v0;
	_ =	sdelay $0x1  }
0x1cf: {  	v3 =	vld [tilespmem:s14+$0x80];
	v0 =	vadd.f32 v2, v0;
	_ =	sdelay $0x1  }
0x1d0: {  	v2 =	vadd.f32 v1, v0;
	v0 =	vld [tilespmem:s14+$0x100];
	_ =	sdelay $0x1  }
0x1d1: {  	v1 =	vld [tilespmem:s14+$0x180]  }
0x1d2: {  	s13 =	simm.s32 $0x0;
	s14 =	simm.s32 $0x6A10;
	v2 =	vadd.f32 v3, v2  }
.LBB2_4:
0x1d3: {  	v3 =	vld [tilespmem:s14+$0xFFFFFE00];
	s13 =	sadd.s32 $0x8, s13  }
0x1d4: {  	p0 =	slt.u32 s13, $0xC0;
	v0 =	vadd.f32 v0, v2  }
0x1d5: {  	v2 =	vld [tilespmem:s14+$0xFFFFFE80]  }
0x1d6: {  	v0 =	vadd.f32 v1, v0  }
0x1d7: {  	v1 =	vld [tilespmem:s14+$0xFFFFFF00]  }
0x1d8: {  	v0 =	vadd.f32 v3, v0  }
0x1d9: {  	v3 =	vld [tilespmem:s14+$0xFFFFFF80]  }
0x1da: {  	v0 =	vadd.f32 v2, v0  }
0x1db: {  	v2 =	vld [tilespmem:s14+$0x0]  }
0x1dc: {  	v0 =	vadd.f32 v1, v0  }
0x1dd: {  	v4 =	vld [tilespmem:s14+$0x80]  }
.Ltmp1:
0x1de: {  	v1 =	vadd.f32 v3, v0;
	(pc) =	sbr.rel @p0 .LBB2_4-.Ltmp1, $4  }
0x1df: {  	v0 =	vld [tilespmem:s14+$0x100]  }
0x1e0: {  	v2 =	vadd.f32 v2, v1  }
0x1e1: {  	v1 =	vld [tilespmem:s14+$0x180]  }
0x1e2: {  	s14 =	sadd.s32 $0x400, s14;
	v2 =	vadd.f32 v4, v2  }
0x1e3: {  	_ = 	snop  }
0x1e4: {  	v0 =	vadd.f32 v0, v2;
	_ =	sdelay $0x1  }
0x1e5: {  	v0 =	vadd.f32 v1, v0;
	_ =	sdelay $0x1  }
0x1e6: {  	s14 =	simm.s32 $0x6620;
	[tilespmem:$0xC810] =	vst v0  }
0x1e7: {  	v0 =	vld [tilespmem:s14+$0xFFFFFE00];
	_ =	sdelay $0x1  }
0x1e8: {  	v1 =	vld [tilespmem:s14+$0xFFFFFE80];
	_ =	sdelay $0x1  }
0x1e9: {  	v2 =	vimm.f32 $0.0e+00;
	v3 =	vld [tilespmem:s14+$0xFFFFFF00]  }
0x1ea: {  	v0 =	vadd.f32 v0, v2  }
0x1eb: {  	v2 =	vld [tilespmem:s14+$0xFFFFFF80]  }
0x1ec: {  	v0 =	vadd.f32 v1, v0  }
0x1ed: {  	v1 =	vld [tilespmem:s14+$0x0]  }
0x1ee: {  	v0 =	vadd.f32 v3, v0;
	_ =	sdelay $0x1  }
0x1ef: {  	v3 =	vld [tilespmem:s14+$0x80];
	v0 =	vadd.f32 v2, v0;
	_ =	sdelay $0x1  }
0x1f0: {  	v2 =	vadd.f32 v1, v0;
	v0 =	vld [tilespmem:s14+$0x100];
	_ =	sdelay $0x1  }
0x1f1: {  	v1 =	vld [tilespmem:s14+$0x180]  }
0x1f2: {  	s13 =	simm.s32 $0x0;
	s14 =	simm.s32 $0x6A20;
	v2 =	vadd.f32 v3, v2  }
.LBB2_6:
0x1f3: {  	v3 =	vld [tilespmem:s14+$0xFFFFFE00];
	s13 =	sadd.s32 $0x8, s13  }
0x1f4: {  	p0 =	slt.u32 s13, $0xC0;
	v0 =	vadd.f32 v0, v2  }
0x1f5: {  	v2 =	vld [tilespmem:s14+$0xFFFFFE80]  }
0x1f6: {  	v0 =	vadd.f32 v1, v0  }
0x1f7: {  	v1 =	vld [tilespmem:s14+$0xFFFFFF00]  }
0x1f8: {  	v0 =	vadd.f32 v3, v0  }
0x1f9: {  	v3 =	vld [tilespmem:s14+$0xFFFFFF80]  }
0x1fa: {  	v0 =	vadd.f32 v2, v0  }
0x1fb: {  	v2 =	vld [tilespmem:s14+$0x0]  }
0x1fc: {  	v0 =	vadd.f32 v1, v0  }
0x1fd: {  	v4 =	vld [tilespmem:s14+$0x80]  }
.Ltmp2:
0x1fe: {  	v1 =	vadd.f32 v3, v0;
	(pc) =	sbr.rel @p0 .LBB2_6-.Ltmp2, $4  }
0x1ff: {  	v0 =	vld [tilespmem:s14+$0x100]  }
0x200: {  	v2 =	vadd.f32 v2, v1  }
0x201: {  	v1 =	vld [tilespmem:s14+$0x180]  }
0x202: {  	s14 =	sadd.s32 $0x400, s14;
	v2 =	vadd.f32 v4, v2  }
0x203: {  	_ = 	snop  }
0x204: {  	v0 =	vadd.f32 v0, v2;
	_ =	sdelay $0x1  }
0x205: {  	v0 =	vadd.f32 v1, v0;
	_ =	sdelay $0x1  }
0x206: {  	s14 =	simm.s32 $0x6630;
	[tilespmem:$0xC820] =	vst v0  }
0x207: {  	v0 =	vld [tilespmem:s14+$0xFFFFFE00];
	_ =	sdelay $0x1  }
0x208: {  	v1 =	vld [tilespmem:s14+$0xFFFFFE80];
	_ =	sdelay $0x1  }
0x209: {  	v2 =	vimm.f32 $0.0e+00;
	v3 =	vld [tilespmem:s14+$0xFFFFFF00]  }
0x20a: {  	v0 =	vadd.f32 v0, v2  }
0x20b: {  	v2 =	vld [tilespmem:s14+$0xFFFFFF80]  }
0x20c: {  	v0 =	vadd.f32 v1, v0  }
0x20d: {  	v1 =	vld [tilespmem:s14+$0x0]  }
0x20e: {  	v0 =	vadd.f32 v3, v0;
	_ =	sdelay $0x1  }
0x20f: {  	v3 =	vld [tilespmem:s14+$0x80];
	v0 =	vadd.f32 v2, v0;
	_ =	sdelay $0x1  }
0x210: {  	v2 =	vadd.f32 v1, v0;
	v0 =	vld [tilespmem:s14+$0x100];
	_ =	sdelay $0x1  }
0x211: {  	v1 =	vld [tilespmem:s14+$0x180]  }
0x212: {  	s13 =	simm.s32 $0x0;
	s14 =	simm.s32 $0x6A30;
	v2 =	vadd.f32 v3, v2  }
.LBB2_8:
0x213: {  	v3 =	vld [tilespmem:s14+$0xFFFFFE00];
	s13 =	sadd.s32 $0x8, s13  }
0x214: {  	p0 =	slt.u32 s13, $0xC0;
	v0 =	vadd.f32 v0, v2  }
0x215: {  	v2 =	vld [tilespmem:s14+$0xFFFFFE80]  }
0x216: {  	v0 =	vadd.f32 v1, v0  }
0x217: {  	v1 =	vld [tilespmem:s14+$0xFFFFFF00]  }
0x218: {  	v0 =	vadd.f32 v3, v0  }
0x219: {  	v3 =	vld [tilespmem:s14+$0xFFFFFF80]  }
0x21a: {  	v0 =	vadd.f32 v2, v0  }
0x21b: {  	v2 =	vld [tilespmem:s14+$0x0]  }
0x21c: {  	v0 =	vadd.f32 v1, v0  }
0x21d: {  	v4 =	vld [tilespmem:s14+$0x80]  }
.Ltmp3:
0x21e: {  	v1 =	vadd.f32 v3, v0;
	(pc) =	sbr.rel @p0 .LBB2_8-.Ltmp3, $4  }
0x21f: {  	v0 =	vld [tilespmem:s14+$0x100]  }
0x220: {  	v2 =	vadd.f32 v2, v1  }
0x221: {  	v1 =	vld [tilespmem:s14+$0x180]  }
0x222: {  	s14 =	sadd.s32 $0x400, s14;
	v2 =	vadd.f32 v4, v2  }
0x223: {  	_ = 	snop  }
0x224: {  	v0 =	vadd.f32 v0, v2;
	_ =	sdelay $0x1  }
0x225: {  	v0 =	vadd.f32 v1, v0;
	_ =	sdelay $0x1  }
0x226: {  	s14 =	simm.s32 $0x6640;
	[tilespmem:$0xC830] =	vst v0  }
0x227: {  	v0 =	vld [tilespmem:s14+$0xFFFFFE00];
	_ =	sdelay $0x1  }
0x228: {  	v1 =	vld [tilespmem:s14+$0xFFFFFE80];
	_ =	sdelay $0x1  }
0x229: {  	v2 =	vimm.f32 $0.0e+00;
	v3 =	vld [tilespmem:s14+$0xFFFFFF00]  }
0x22a: {  	v0 =	vadd.f32 v0, v2  }
0x22b: {  	v2 =	vld [tilespmem:s14+$0xFFFFFF80]  }
0x22c: {  	v0 =	vadd.f32 v1, v0  }
0x22d: {  	v1 =	vld [tilespmem:s14+$0x0]  }
0x22e: {  	v0 =	vadd.f32 v3, v0;
	_ =	sdelay $0x1  }
0x22f: {  	v3 =	vld [tilespmem:s14+$0x80];
	v0 =	vadd.f32 v2, v0;
	_ =	sdelay $0x1  }
0x230: {  	v2 =	vadd.f32 v1, v0;
	v0 =	vld [tilespmem:s14+$0x100];
	_ =	sdelay $0x1  }
0x231: {  	v1 =	vld [tilespmem:s14+$0x180]  }
0x232: {  	s13 =	simm.s32 $0x0;
	s14 =	simm.s32 $0x6A40;
	v2 =	vadd.f32 v3, v2  }
.LBB2_10:
0x233: {  	v3 =	vld [tilespmem:s14+$0xFFFFFE00];
	s13 =	sadd.s32 $0x8, s13  }
0x234: {  	p0 =	slt.u32 s13, $0xC0;
	v0 =	vadd.f32 v0, v2  }
0x235: {  	v2 =	vld [tilespmem:s14+$0xFFFFFE80]  }
0x236: {  	v0 =	vadd.f32 v1, v0  }
0x237: {  	v1 =	vld [tilespmem:s14+$0xFFFFFF00]  }
0x238: {  	v0 =	vadd.f32 v3, v0  }
0x239: {  	v3 =	vld [tilespmem:s14+$0xFFFFFF80]  }
0x23a: {  	v0 =	vadd.f32 v2, v0  }
0x23b: {  	v2 =	vld [tilespmem:s14+$0x0]  }
0x23c: {  	v0 =	vadd.f32 v1, v0  }
0x23d: {  	v4 =	vld [tilespmem:s14+$0x80]  }
.Ltmp4:
0x23e: {  	v1 =	vadd.f32 v3, v0;
	(pc) =	sbr.rel @p0 .LBB2_10-.Ltmp4, $4  }
0x23f: {  	v0 =	vld [tilespmem:s14+$0x100]  }
0x240: {  	v2 =	vadd.f32 v2, v1  }
0x241: {  	v1 =	vld [tilespmem:s14+$0x180]  }
0x242: {  	s14 =	sadd.s32 $0x400, s14;
	v2 =	vadd.f32 v4, v2  }
0x243: {  	_ = 	snop  }
0x244: {  	v0 =	vadd.f32 v0, v2;
	_ =	sdelay $0x1  }
0x245: {  	v0 =	vadd.f32 v1, v0;
	_ =	sdelay $0x1  }
0x246: {  	s14 =	simm.s32 $0x6650;
	[tilespmem:$0xC840] =	vst v0  }
0x247: {  	v0 =	vld [tilespmem:s14+$0xFFFFFE00];
	_ =	sdelay $0x1  }
0x248: {  	v1 =	vld [tilespmem:s14+$0xFFFFFE80];
	_ =	sdelay $0x1  }
0x249: {  	v2 =	vimm.f32 $0.0e+00;
	v3 =	vld [tilespmem:s14+$0xFFFFFF00]  }
0x24a: {  	v0 =	vadd.f32 v0, v2  }
0x24b: {  	v2 =	vld [tilespmem:s14+$0xFFFFFF80]  }
0x24c: {  	v0 =	vadd.f32 v1, v0  }
0x24d: {  	v1 =	vld [tilespmem:s14+$0x0]  }
0x24e: {  	v0 =	vadd.f32 v3, v0;
	_ =	sdelay $0x1  }
0x24f: {  	v3 =	vld [tilespmem:s14+$0x80];
	v0 =	vadd.f32 v2, v0;
	_ =	sdelay $0x1  }
0x250: {  	v2 =	vadd.f32 v1, v0;
	v0 =	vld [tilespmem:s14+$0x100];
	_ =	sdelay $0x1  }
0x251: {  	v1 =	vld [tilespmem:s14+$0x180]  }
0x252: {  	s13 =	simm.s32 $0x0;
	s14 =	simm.s32 $0x6A50;
	v2 =	vadd.f32 v3, v2  }
.LBB2_12:
0x253: {  	v3 =	vld [tilespmem:s14+$0xFFFFFE00];
	s13 =	sadd.s32 $0x8, s13  }
0x254: {  	p0 =	slt.u32 s13, $0xC0;
	v0 =	vadd.f32 v0, v2  }
0x255: {  	v2 =	vld [tilespmem:s14+$0xFFFFFE80]  }
0x256: {  	v0 =	vadd.f32 v1, v0  }
0x257: {  	v1 =	vld [tilespmem:s14+$0xFFFFFF00]  }
0x258: {  	v0 =	vadd.f32 v3, v0  }
0x259: {  	v3 =	vld [tilespmem:s14+$0xFFFFFF80]  }
0x25a: {  	v0 =	vadd.f32 v2, v0  }
0x25b: {  	v2 =	vld [tilespmem:s14+$0x0]  }
0x25c: {  	v0 =	vadd.f32 v1, v0  }
0x25d: {  	v4 =	vld [tilespmem:s14+$0x80]  }
.Ltmp5:
0x25e: {  	v1 =	vadd.f32 v3, v0;
	(pc) =	sbr.rel @p0 .LBB2_12-.Ltmp5, $4  }
0x25f: {  	v0 =	vld [tilespmem:s14+$0x100]  }
0x260: {  	v2 =	vadd.f32 v2, v1  }
0x261: {  	v1 =	vld [tilespmem:s14+$0x180]  }
0x262: {  	s14 =	sadd.s32 $0x400, s14;
	v2 =	vadd.f32 v4, v2  }
0x263: {  	_ = 	snop  }
0x264: {  	v0 =	vadd.f32 v0, v2;
	_ =	sdelay $0x1  }
0x265: {  	v0 =	vadd.f32 v1, v0;
	_ =	sdelay $0x1  }
0x266: {  	s14 =	simm.s32 $0x6660;
	[tilespmem:$0xC850] =	vst v0  }
0x267: {  	v0 =	vld [tilespmem:s14+$0xFFFFFE00];
	_ =	sdelay $0x1  }
0x268: {  	v1 =	vld [tilespmem:s14+$0xFFFFFE80];
	_ =	sdelay $0x1  }
0x269: {  	v2 =	vimm.f32 $0.0e+00;
	v3 =	vld [tilespmem:s14+$0xFFFFFF00]  }
0x26a: {  	v0 =	vadd.f32 v0, v2  }
0x26b: {  	v2 =	vld [tilespmem:s14+$0xFFFFFF80]  }
0x26c: {  	v0 =	vadd.f32 v1, v0  }
0x26d: {  	v1 =	vld [tilespmem:s14+$0x0]  }
0x26e: {  	v0 =	vadd.f32 v3, v0;
	_ =	sdelay $0x1  }
0x26f: {  	v3 =	vld [tilespmem:s14+$0x80];
	v0 =	vadd.f32 v2, v0;
	_ =	sdelay $0x1  }
0x270: {  	v2 =	vadd.f32 v1, v0;
	v0 =	vld [tilespmem:s14+$0x100];
	_ =	sdelay $0x1  }
0x271: {  	v1 =	vld [tilespmem:s14+$0x180]  }
0x272: {  	s13 =	simm.s32 $0x0;
	s14 =	simm.s32 $0x6A60;
	v2 =	vadd.f32 v3, v2  }
.LBB2_14:
0x273: {  	v3 =	vld [tilespmem:s14+$0xFFFFFE00];
	s13 =	sadd.s32 $0x8, s13  }
0x274: {  	p0 =	slt.u32 s13, $0xC0;
	v0 =	vadd.f32 v0, v2  }
0x275: {  	v2 =	vld [tilespmem:s14+$0xFFFFFE80]  }
0x276: {  	v0 =	vadd.f32 v1, v0  }
0x277: {  	v1 =	vld [tilespmem:s14+$0xFFFFFF00]  }
0x278: {  	v0 =	vadd.f32 v3, v0  }
0x279: {  	v3 =	vld [tilespmem:s14+$0xFFFFFF80]  }
0x27a: {  	v0 =	vadd.f32 v2, v0  }
0x27b: {  	v2 =	vld [tilespmem:s14+$0x0]  }
0x27c: {  	v0 =	vadd.f32 v1, v0  }
0x27d: {  	v4 =	vld [tilespmem:s14+$0x80]  }
.Ltmp6:
0x27e: {  	v1 =	vadd.f32 v3, v0;
	(pc) =	sbr.rel @p0 .LBB2_14-.Ltmp6, $4  }
0x27f: {  	v0 =	vld [tilespmem:s14+$0x100]  }
0x280: {  	v2 =	vadd.f32 v2, v1  }
0x281: {  	v1 =	vld [tilespmem:s14+$0x180]  }
0x282: {  	s14 =	sadd.s32 $0x400, s14;
	v2 =	vadd.f32 v4, v2  }
0x283: {  	_ = 	snop  }
0x284: {  	v0 =	vadd.f32 v0, v2;
	_ =	sdelay $0x1  }
0x285: {  	v0 =	vadd.f32 v1, v0;
	_ =	sdelay $0x1  }
0x286: {  	s14 =	simm.s32 $0x6670;
	[tilespmem:$0xC860] =	vst v0  }
0x287: {  	v0 =	vld [tilespmem:s14+$0xFFFFFE00];
	_ =	sdelay $0x1  }
0x288: {  	v1 =	vld [tilespmem:s14+$0xFFFFFE80];
	_ =	sdelay $0x1  }
0x289: {  	v2 =	vimm.f32 $0.0e+00;
	v3 =	vld [tilespmem:s14+$0xFFFFFF00]  }
0x28a: {  	v0 =	vadd.f32 v0, v2  }
0x28b: {  	v2 =	vld [tilespmem:s14+$0xFFFFFF80]  }
0x28c: {  	v0 =	vadd.f32 v1, v0  }
0x28d: {  	v1 =	vld [tilespmem:s14+$0x0]  }
0x28e: {  	v0 =	vadd.f32 v3, v0;
	_ =	sdelay $0x1  }
0x28f: {  	v3 =	vld [tilespmem:s14+$0x80];
	v0 =	vadd.f32 v2, v0;
	_ =	sdelay $0x1  }
0x290: {  	v2 =	vadd.f32 v1, v0;
	v0 =	vld [tilespmem:s14+$0x100];
	_ =	sdelay $0x1  }
0x291: {  	v1 =	vld [tilespmem:s14+$0x180]  }
0x292: {  	s13 =	simm.s32 $0x0;
	s14 =	simm.s32 $0x6A70;
	v2 =	vadd.f32 v3, v2  }
.LBB2_16:
0x293: {  	v3 =	vld [tilespmem:s14+$0xFFFFFE00];
	s13 =	sadd.s32 $0x8, s13  }
0x294: {  	p0 =	slt.u32 s13, $0xC0;
	v0 =	vadd.f32 v0, v2  }
0x295: {  	v2 =	vld [tilespmem:s14+$0xFFFFFE80]  }
0x296: {  	v0 =	vadd.f32 v1, v0  }
0x297: {  	v1 =	vld [tilespmem:s14+$0xFFFFFF00]  }
0x298: {  	v0 =	vadd.f32 v3, v0  }
0x299: {  	v3 =	vld [tilespmem:s14+$0xFFFFFF80]  }
0x29a: {  	v0 =	vadd.f32 v2, v0  }
0x29b: {  	v2 =	vld [tilespmem:s14+$0x0]  }
0x29c: {  	v0 =	vadd.f32 v1, v0  }
0x29d: {  	v4 =	vld [tilespmem:s14+$0x80]  }
.Ltmp7:
0x29e: {  	v1 =	vadd.f32 v3, v0;
	(pc) =	sbr.rel @p0 .LBB2_16-.Ltmp7, $4  }
0x29f: {  	v0 =	vld [tilespmem:s14+$0x100]  }
0x2a0: {  	v2 =	vadd.f32 v2, v1  }
0x2a1: {  	v1 =	vld [tilespmem:s14+$0x180]  }
0x2a2: {  	s14 =	sadd.s32 $0x400, s14;
	v2 =	vadd.f32 v4, v2  }
0x2a3: {  	_ = 	snop  }
0x2a4: {  	v0 =	vadd.f32 v0, v2;
	_ =	sdelay $0x1  }
0x2a5: {  	s12 =	sadd.s32 $0x1, s12;
	v0 =	vadd.f32 v1, v0  }
0x2a6: {  	p0 =	sne.s32 s12, s6  }
.Ltmp8:
0x2a7: {  	[tilespmem:$0xC870] =	vst v0;
	(pc) =	sbr.rel @p0 .LBB2_1-.Ltmp8, $4  }
0x2a8: {  	[hbm4b:s5+s2] =	stream.linear.scatter [tilespmem:s11], [sflag:$0x2], $0x80, $0x38;
	[tilespmem:$0xC880] =	vst v63  }
0x2a9: {  	_ =	swait.ge [sflag:s9], $0x80  }
0x2aa: {  	[sflag:s9] =	ssyncset.done $0x0  }
0x2ab: {  	[sflag:s9] =	ssyncadd.s32 $0xFFFFFF80  }
0x2ac: {  	_ =	sfence.sel $0x180000  }
0x2ad: {  	[bflag:$0x0] =	sbarrier.arrive $0xFFFF  }
0x2ae: {  	_ =	strace $0x90000047  }
0x2af: {  	s0 =	stileid.u32;
	[bflag:$0x2] =	sbarrier.arrive $0xFFFF  }
0x2b0: {  	p0 =	sne.s32 s0, $0x0;
	s0 =	rddreg [dreg:$0x3]  }
0x2b1: {  	s0 =	sadd.s32 @!p0 $0x100000, s0  }
0x2b2: {  	[sflag:s0] =	ssyncadd.tile.s32 @!p0 $0x1;
	_ =	shalt  }
.Lfunc_end2:
_tile_overlayer_lowered:
.L_overlay_start_2:
0x2b3: {  	(tag) =	ssettag $0x2  }
0x2b4: {  	s0 =	rddreg [dreg:$0x0];
	s2 =	stileid.u32  }
0x2b5: {  	s1 =	rddreg [dreg:$0x1];
	p0 =	sne.s32 s2, $0x0  }
0x2b6: {  	s3 =	rddreg [dreg:$0x2];
	[bflag:$0x3] =	sbarrier.arrive $0xFFFF;
	s2 =	simm.s32 @!p0 $0x1C02  }
0x2b7: {  	[timem:s3], [sflag:s2] =	dma.local @!p0 [hbm:s0], s1  }
0x2b8: {  	s0 =	simm.s32 @!p0 $0x2  }
0x2b9: {  	_ =	swait.ge @!p0 [sflag:s0], s1  }
0x2ba: {  	s1 =	ssub.s32 @!p0 $0x0, s1;
	[sflag:s0] =	ssyncset.done @!p0 $0x0  }
0x2bb: {  	[sflag:s0] =	ssyncadd.s32 @!p0 s1  }
0x2bc: {  	[bflag:$0x3] =	sbarrier.arrive $0xFFFF  }
0x2bd: {  	_ =	shalt  }

</sc_bundles>
